<compile_context>
chip_gen: v7x
topology: tpu7x:2x2x1
jax: 0.10.2.dev20260603
libtpu: 0.0.44.dev20260713+nightly
codegen_flags: <defaults>
</compile_context>

<pallas_src>
import functools

import jax
import jax.numpy as jnp
from jax import lax
from jax.experimental import pallas as pl
from jax.experimental.pallas import tpu as pltpu
from jax.experimental.pallas import tpu_sc as plsc

RADIUS = 0.2
NSAMPLE = 64
L = 16

B = 4
N = 16384
NPOINT = 1024
C = 128
COUT = C + 3

NW = 32
W_PER_B = NW // B
CPW = NPOINT // W_PER_B

GRP = 16
CHUNK = GRP * L
NCHUNKS = N // CHUNK
IDXBUF = NSAMPLE + CHUNK + L


def _sc_body(xyzt, cent, feat, out, xyz_v, cen_v, idxbuf, idxl, idxq,
             rows_v, stage, gsem, osem):
    wid = lax.axis_index("s") * 2 + lax.axis_index("c")
    b = wid // W_PER_B
    cbase = (wid % W_PER_B) * CPW
    gbase = b * N

    pltpu.sync_copy(xyzt.at[b], xyz_v)
    for coord in range(3):
        pltpu.sync_copy(
            cent.at[b, pl.ds(coord * NPOINT + cbase, CPW)],
            cen_v.at[pl.ds(coord * CPW, CPW)])

    iota = lax.iota(jnp.int32, L)
    r2 = jnp.float32(RADIUS * RADIUS)

    def center_splats(c):
        cvec = jnp.full((L,), c, jnp.int32)
        cx = plsc.load_gather(cen_v, [cvec])
        cy = plsc.load_gather(cen_v, [cvec + CPW])
        cz = plsc.load_gather(cen_v, [cvec + 2 * CPW])
        return cx, cy, cz

    def gather_desc(bo):
        return pltpu.make_async_copy(
            feat.at[idxq.at[bo]],
            rows_v.at[pl.ds(bo * NSAMPLE, NSAMPLE)], gsem)

    def out_desc(bo, c):
        return pltpu.make_async_copy(
            stage.at[pl.ds(bo * COUT, 64)],
            out.at[b, pl.ds(0, 64), cbase + c, :], osem)

    def ball_query(i, bo):
        cx, cy, cz = center_splats(i)

        def chunk_cond(st):
            cntm1, ci = st
            return jnp.logical_and(jnp.all(cntm1 < NSAMPLE - 1),
                                   ci < NCHUNKS)

        def chunk_body(st):
            cntm1, ci = st
            base = ci * CHUNK
            for t in range(GRP):
                off = base + t * L
                vx = xyz_v[pl.ds(off, L)]
                vy = xyz_v[pl.ds(N + off, L)]
                vz = xyz_v[pl.ds(2 * N + off, L)]
                dx = cx - vx
                dy = cy - vy
                dz = cz - vz
                d2 = dx * dx
                d2 = d2 + dy * dy
                d2 = d2 + dz * dz
                m = d2 < r2
                rank = plsc.cumsum(m.astype(jnp.int32))
                plsc.store_scatter(idxbuf, [rank + cntm1], off + iota,
                                   mask=m)
                cntm1 = cntm1 + plsc.all_reduce_population_count(m)
            return cntm1, ci + 1

        cntm1, _ = lax.while_loop(
            chunk_cond, chunk_body,
            (jnp.full((L,), -1, jnp.int32), jnp.int32(0)))

        cnt_v = cntm1 + 1
        first = plsc.load_gather(idxbuf, [jnp.zeros((L,), jnp.int32)])
        first = jnp.where(cnt_v > 0, first, 0)
        bov = jnp.full((L,), bo, jnp.int32)
        for k in range(NSAMPLE // L):
            lane = k * L + iota
            v = idxbuf[pl.ds(k * L, L)]
            v = jnp.where(lane < cnt_v, v, first)
            plsc.store_scatter(idxl, [bov, lane], v)
            plsc.store_scatter(idxq, [bov, lane], v + gbase)
        gather_desc(bo).start()

    def emit(i, bo):
        c = i
        cx, cy, cz = center_splats(c)
        bov = jnp.full((L,), bo, jnp.int32)

        out_desc(bo, c).wait()

        srowv = bov * COUT
        for k in range(NSAMPLE // L):
            samp = k * L + iota
            lv = plsc.load_gather(idxl, [bov, samp])
            gx = plsc.load_gather(xyz_v, [lv])
            gy = plsc.load_gather(xyz_v, [lv + N])
            gz = plsc.load_gather(xyz_v, [lv + 2 * N])
            plsc.store_scatter(stage, [srowv, samp], gx - cx)
            plsc.store_scatter(stage, [srowv + 1, samp], gy - cy)
            plsc.store_scatter(stage, [srowv + 2, samp], gz - cz)

        gather_desc(bo).wait()

        samps = [k * L + iota for k in range(NSAMPLE // L)]
        rsamps = [bo * NSAMPLE + s for s in samps]
        srow3 = srowv + 3

        @plsc.parallel_loop(0, C, step=1, unroll=16)
        def _(ch):
            chv = jnp.full((L,), ch, jnp.int32)
            row = srow3 + chv
            for k in range(NSAMPLE // L):
                col = plsc.load_gather(rows_v, [rsamps[k], chv])
                plsc.store_scatter(stage, [row, samps[k]], col)

        out_desc(bo, c).start()

    pltpu.make_async_copy(out.at[b, :, cbase, :],
                          stage.at[pl.ds(0, COUT)], osem).start()
    pltpu.make_async_copy(out.at[b, :, cbase + 1, :],
                          stage.at[pl.ds(COUT, COUT)], osem).start()

    def pipe(i, _):
        @pl.when(i >= 1)
        def _():
            emit(i - 1, (i - 1) % 2)

        @pl.when(i < CPW)
        def _():
            ball_query(i, i % 2)

        return 0

    lax.fori_loop(0, CPW + 1, pipe, 0)
    out_desc(0, 0).wait()
    out_desc(1, 0).wait()


@jax.jit
def _run(xyzt, cent, feat):
    mesh = plsc.VectorSubcoreMesh(core_axis_name="c", subcore_axis_name="s")
    return pl.kernel(
        _sc_body,
        out_type=jax.ShapeDtypeStruct((B, COUT, NPOINT, NSAMPLE),
                                      jnp.float32),
        mesh=mesh,
        compiler_params=pltpu.CompilerParams(needs_layout_passes=False),
        scratch_types=[
            pltpu.VMEM((3 * N,), jnp.float32),
            pltpu.VMEM((3 * CPW,), jnp.float32),
            pltpu.VMEM((IDXBUF,), jnp.int32),
            pltpu.VMEM((2, NSAMPLE), jnp.int32),
            pltpu.VMEM((2, NSAMPLE), jnp.int32),
            pltpu.VMEM((2 * NSAMPLE, C), jnp.float32),
            pltpu.VMEM((2 * COUT, NSAMPLE), jnp.float32),
            pltpu.SemaphoreType.DMA,
            pltpu.SemaphoreType.DMA,
        ],
    )(xyzt, cent, feat)


def kernel(xyz, new_xyz, features):
    xyzt = jnp.transpose(xyz, (0, 2, 1)).reshape(B, 3 * N)
    cent = jnp.transpose(new_xyz, (0, 2, 1)).reshape(B, 3 * NPOINT)
    feat = jnp.transpose(features, (0, 2, 1)).reshape(B * N, C)
    return _run(xyzt, cent, feat)

# --- scband reference (transcript-rebuilt; emitter-appended) ---
"""Pipeline reference for scband-query-and-group-6932077216284 (READ-ONLY COPY).

The authoritative reference and input builder live on the scoring server;
editing this copy changes nothing except your own understanding.
"""

import jax, jax.numpy as jnp
import numpy as np

RADIUS = 0.2
NSAMPLE = 64


def _ball_query(radius, nsample, xyz, new_xyz):
    # xyz: (B, N, 3), new_xyz: (B, npoint, 3) -> idx (B, npoint, nsample) int32
    B, N, _ = xyz.shape
    d2 = jnp.sum((new_xyz[:, :, None, :] - xyz[:, None, :, :]) ** 2, axis=-1)  # (B, npoint, N)
    mask = d2 < (radius * radius)
    ar = jnp.arange(N, dtype=jnp.int32)
    cand = jnp.where(mask, ar[None, None, :], jnp.int32(N))  # sentinel N for out-of-ball
    cand = jnp.sort(cand, axis=-1)[:, :, :nsample]  # first nsample in-ball indices, in point order
    first = cand[:, :, 0:1]
    idx = jnp.where(cand == N, first, cand)  # pad with first found index (CUDA ball_query semantics)
    idx = jnp.where(idx == N, 0, idx)  # if no point in ball, fall back to index 0
    return idx


def _group(features, idx):
    # features: (B, C, N), idx: (B, npoint, nsample) -> (B, C, npoint, nsample)
    def g(f, i):
        return f[:, i]
    return jax.vmap(g)(features, idx)


def setup_inputs(seed: int = 0) -> dict:
    key = jax.random.key(seed)
    k1, k2, k3 = jax.random.split(key, 3)
    xyz = jax.random.uniform(k1, (4, 16384, 3), dtype=jnp.float32)
    new_xyz = jax.random.uniform(k2, (4, 1024, 3), dtype=jnp.float32)
    features = jax.random.normal(k3, (4, 128, 16384), dtype=jnp.float32)
    return {"xyz": xyz, "new_xyz": new_xyz, "features": features}


def reference(xyz, new_xyz, features):
    idx = _ball_query(RADIUS, NSAMPLE, xyz, new_xyz)
    xyz_trans = jnp.transpose(xyz, (0, 2, 1))  # (B, 3, N)
    grouped_xyz = _group(xyz_trans, idx)  # (B, 3, npoint, nsample)
    grouped_xyz = grouped_xyz - jnp.transpose(new_xyz, (0, 2, 1))[..., None]
    grouped_features = _group(features, idx)  # (B, C, npoint, nsample)
    new_features = jnp.concatenate([grouped_xyz, grouped_features], axis=1)  # use_xyz=True
    return new_features

if __name__ == "__main__":
    import jax
    _d = setup_inputs()
    print(jax.jit(kernel)(*tuple(_d.values())))

</pallas_src>

<mosaic_0001>
#map = affine_map<(d0, d1) -> (0, 0)>
#map1 = affine_map<(d0, d1) -> (0, 0, 0, 0)>
module attributes {stable_mosaic.version = 14 : i64} {
  func.func @_sc_body(%arg0: i32, %arg1: i32, %arg2: memref<4x49152xf32, #tpu.memory_space<hbm>>, %arg3: memref<4x3072xf32, #tpu.memory_space<hbm>>, %arg4: memref<65536x128xf32, #tpu.memory_space<hbm>>, %arg5: memref<4x131x1024x64xf32, #tpu.memory_space<hbm>>, %arg6: memref<49152xf32, #tpu.memory_space<vmem>>, %arg7: memref<384xf32, #tpu.memory_space<vmem>>, %arg8: memref<336xi32, #tpu.memory_space<vmem>>, %arg9: memref<2x64xi32, #tpu.memory_space<vmem>>, %arg10: memref<2x64xi32, #tpu.memory_space<vmem>>, %arg11: memref<128x128xf32, #tpu.memory_space<vmem>>, %arg12: memref<262x64xf32, #tpu.memory_space<vmem>>, %arg13: memref<!tpu.dma_semaphore, #tpu.memory_space<semaphore_mem>>, %arg14: memref<!tpu.dma_semaphore, #tpu.memory_space<semaphore_mem>>) attributes {dimension_semantics = [#tpu.dimension_semantics<core_parallel>, #tpu.dimension_semantics<subcore_parallel>], iteration_bounds = array<i64: 2, 16>, scalar_prefetch = 0 : i64, scratch_operands = 9 : i64, tpu.core_type = #tpu.core_type<sc_vector_subcore>, window_params = [{transform_indices = #map}, {transform_indices = #map}, {transform_indices = #map}, {transform_indices = #map1}]} {
    %mul3A = arith.constant 2 : i32
    %mul3A_0 = arith.muli %arg1, %mul3A : i32
    %add3A = arith.addi %mul3A_0, %arg0 : i32
    %jit3A = arith.constant 8 : i32
    %div3A = arith.divsi %add3A, %jit3A : i32
    %sign3A = arith.constant 0 : i32
    %sign3A_1 = arith.cmpi sgt, %add3A, %sign3A : i32
    %sign3A_2 = arith.extui %sign3A_1 : i1 to i32
    %sign3A_3 = arith.constant 0 : i32
    %sign3A_4 = arith.cmpi slt, %add3A, %sign3A_3 : i32
    %sign3A_5 = arith.extui %sign3A_4 : i1 to i32
    %sign3A_6 = arith.subi %sign3A_2, %sign3A_5 : i32
    %sign3A_7 = arith.constant 0 : i32
    %sign3A_8 = arith.cmpi sgt, %jit3A, %sign3A_7 : i32
    %sign3A_9 = arith.extui %sign3A_8 : i1 to i32
    %sign3A_10 = arith.constant 0 : i32
    %sign3A_11 = arith.cmpi slt, %jit3A, %sign3A_10 : i32
    %sign3A_12 = arith.extui %sign3A_11 : i1 to i32
    %sign3A_13 = arith.subi %sign3A_9, %sign3A_12 : i32
    %ne3A = arith.cmpi ne, %sign3A_6, %sign3A_13 : i32
    %rem3A = arith.remsi %add3A, %jit3A : i32
    %ne3A_14 = arith.constant 0 : i32
    %ne3A_15 = arith.cmpi ne, %rem3A, %ne3A_14 : i32
    %and3A = arith.andi %ne3A, %ne3A_15 : i1
    %sub3A = arith.constant 1 : i32
    %sub3A_16 = arith.subi %div3A, %sub3A : i32
    %select_n3A = arith.select %and3A, %sub3A_16, %div3A : i32
    %jit3A_17 = arith.constant 8 : i32
    %eq3A = arith.constant 0 : i32
    %eq3A_18 = arith.cmpi eq, %jit3A_17, %eq3A : i32
    %jit3A_19 = arith.constant 1 : i32
    %select_n3A_20 = arith.select %eq3A_18, %jit3A_19, %jit3A_17 : i32
    %rem3A_21 = arith.remsi %add3A, %select_n3A_20 : i32
    %ne3A_22 = arith.constant 0 : i32
    %ne3A_23 = arith.cmpi ne, %rem3A_21, %ne3A_22 : i32
    %lt3A = arith.constant 0 : i32
    %lt3A_24 = arith.cmpi slt, %rem3A_21, %lt3A : i32
    %lt3A_25 = arith.constant 0 : i32
    %lt3A_26 = arith.cmpi slt, %select_n3A_20, %lt3A_25 : i32
    %ne3A_27 = arith.xori %lt3A_24, %lt3A_26 : i1
    %and3A_28 = arith.andi %ne3A_27, %ne3A_23 : i1
    %add3A_29 = arith.addi %rem3A_21, %select_n3A_20 : i32
    %select_n3A_30 = arith.select %and3A_28, %add3A_29, %rem3A_21 : i32
    %mul3A_31 = arith.constant 128 : i32
    %mul3A_32 = arith.muli %select_n3A_30, %mul3A_31 : i32
    %mul3A_33 = arith.constant 16384 : i32
    %mul3A_34 = arith.muli %select_n3A, %mul3A_33 : i32
    "tpu.region"() ({
      %run_scoped3A = tpu.sem_alloc : memref<!tpu.dma_semaphore, #tpu.memory_space<semaphore_mem>>
      %dma_start3A_108 = arith.constant 0 : i32
      %dma_start3A_109 = tpu.memref_slice %arg2[%select_n3A, %dma_start3A_108] : memref<4x49152xf32, #tpu.memory_space<hbm>> -> memref<1x49152xf32, #tpu.memory_space<hbm>>
      %dma_start3A_110 = tpu.memref_squeeze %dma_start3A_109 : memref<1x49152xf32, #tpu.memory_space<hbm>> -> memref<49152xf32, #tpu.memory_space<hbm>>
      %dma_start3A_111 = arith.constant 0 : i32
      %dma_start3A_112 = tpu.memref_slice %arg2[%select_n3A, %dma_start3A_111] : memref<4x49152xf32, #tpu.memory_space<hbm>> -> memref<1x49152xf32, #tpu.memory_space<hbm>>
      %dma_start3A_113 = tpu.memref_squeeze %dma_start3A_112 : memref<1x49152xf32, #tpu.memory_space<hbm>> -> memref<49152xf32, #tpu.memory_space<hbm>>
      tpu.enqueue_dma source(%dma_start3A_113 : memref<49152xf32, #tpu.memory_space<hbm>>) target(%arg6 : memref<49152xf32, #tpu.memory_space<vmem>>) target_semaphore(%run_scoped3A : memref<!tpu.dma_semaphore, #tpu.memory_space<semaphore_mem>>)
      %dma_wait3A_114 = arith.constant 0 : i32
      %dma_wait3A_115 = tpu.memref_slice %arg2[%select_n3A, %dma_wait3A_114] : memref<4x49152xf32, #tpu.memory_space<hbm>> -> memref<1x49152xf32, #tpu.memory_space<hbm>>
      %dma_wait3A_116 = tpu.memref_squeeze %dma_wait3A_115 : memref<1x49152xf32, #tpu.memory_space<hbm>> -> memref<49152xf32, #tpu.memory_space<hbm>>
      %dma_wait3A_117 = arith.constant 0 : i32
      %dma_wait3A_118 = tpu.memref_slice %arg2[%select_n3A, %dma_wait3A_117] : memref<4x49152xf32, #tpu.memory_space<hbm>> -> memref<1x49152xf32, #tpu.memory_space<hbm>>
      %dma_wait3A_119 = tpu.memref_squeeze %dma_wait3A_118 : memref<1x49152xf32, #tpu.memory_space<hbm>> -> memref<49152xf32, #tpu.memory_space<hbm>>
      tpu.wait_dma2 semaphore(%run_scoped3A : memref<!tpu.dma_semaphore, #tpu.memory_space<semaphore_mem>>) src(%dma_wait3A_119 : memref<49152xf32, #tpu.memory_space<hbm>>) dst(%arg6 : memref<49152xf32, #tpu.memory_space<vmem>>)
      tpu.yield
    }) : () -> ()
    %add3A_35 = arith.constant 0 : i32
    %add3A_36 = arith.addi %add3A_35, %mul3A_32 : i32
    "tpu.region"() ({
      %run_scoped3A = tpu.sem_alloc : memref<!tpu.dma_semaphore, #tpu.memory_space<semaphore_mem>>
      %dma_start3A_108 = arith.constant 0 : i32
      %dma_start3A_109 = tpu.memref_slice %arg7[%dma_start3A_108] : memref<384xf32, #tpu.memory_space<vmem>> -> memref<128xf32, #tpu.memory_space<vmem>>
      %dma_start3A_110 = tpu.memref_slice %arg3[%select_n3A, %add3A_36] : memref<4x3072xf32, #tpu.memory_space<hbm>> -> memref<1x128xf32, #tpu.memory_space<hbm>>
      %dma_start3A_111 = tpu.memref_squeeze %dma_start3A_110 : memref<1x128xf32, #tpu.memory_space<hbm>> -> memref<128xf32, #tpu.memory_space<hbm>>
      %dma_start3A_112 = arith.constant 0 : i32
      %dma_start3A_113 = tpu.memref_slice %arg7[%dma_start3A_112] : memref<384xf32, #tpu.memory_space<vmem>> -> memref<128xf32, #tpu.memory_space<vmem>>
      %dma_start3A_114 = tpu.memref_slice %arg3[%select_n3A, %add3A_36] : memref<4x3072xf32, #tpu.memory_space<hbm>> -> memref<1x128xf32, #tpu.memory_space<hbm>>
      %dma_start3A_115 = tpu.memref_squeeze %dma_start3A_114 : memref<1x128xf32, #tpu.memory_space<hbm>> -> memref<128xf32, #tpu.memory_space<hbm>>
      tpu.enqueue_dma source(%dma_start3A_115 : memref<128xf32, #tpu.memory_space<hbm>>) target(%dma_start3A_113 : memref<128xf32, #tpu.memory_space<vmem>>) target_semaphore(%run_scoped3A : memref<!tpu.dma_semaphore, #tpu.memory_space<semaphore_mem>>)
      %dma_wait3A_116 = arith.constant 0 : i32
      %dma_wait3A_117 = tpu.memref_slice %arg7[%dma_wait3A_116] : memref<384xf32, #tpu.memory_space<vmem>> -> memref<128xf32, #tpu.memory_space<vmem>>
      %dma_wait3A_118 = tpu.memref_slice %arg3[%select_n3A, %add3A_36] : memref<4x3072xf32, #tpu.memory_space<hbm>> -> memref<1x128xf32, #tpu.memory_space<hbm>>
      %dma_wait3A_119 = tpu.memref_squeeze %dma_wait3A_118 : memref<1x128xf32, #tpu.memory_space<hbm>> -> memref<128xf32, #tpu.memory_space<hbm>>
      %dma_wait3A_120 = arith.constant 0 : i32
      %dma_wait3A_121 = tpu.memref_slice %arg7[%dma_wait3A_120] : memref<384xf32, #tpu.memory_space<vmem>> -> memref<128xf32, #tpu.memory_space<vmem>>
      %dma_wait3A_122 = tpu.memref_slice %arg3[%select_n3A, %add3A_36] : memref<4x3072xf32, #tpu.memory_space<hbm>> -> memref<1x128xf32, #tpu.memory_space<hbm>>
      %dma_wait3A_123 = tpu.memref_squeeze %dma_wait3A_122 : memref<1x128xf32, #tpu.memory_space<hbm>> -> memref<128xf32, #tpu.memory_space<hbm>>
      tpu.wait_dma2 semaphore(%run_scoped3A : memref<!tpu.dma_semaphore, #tpu.memory_space<semaphore_mem>>) src(%dma_wait3A_123 : memref<128xf32, #tpu.memory_space<hbm>>) dst(%dma_wait3A_121 : memref<128xf32, #tpu.memory_space<vmem>>)
      tpu.yield
    }) : () -> ()
    %add3A_37 = arith.constant 1024 : i32
    %add3A_38 = arith.addi %add3A_37, %mul3A_32 : i32
    "tpu.region"() ({
      %run_scoped3A = tpu.sem_alloc : memref<!tpu.dma_semaphore, #tpu.memory_space<semaphore_mem>>
      %dma_start3A_108 = arith.constant 128 : i32
      %dma_start3A_109 = tpu.memref_slice %arg7[%dma_start3A_108] : memref<384xf32, #tpu.memory_space<vmem>> -> memref<128xf32, #tpu.memory_space<vmem>>
      %dma_start3A_110 = tpu.memref_slice %arg3[%select_n3A, %add3A_38] : memref<4x3072xf32, #tpu.memory_space<hbm>> -> memref<1x128xf32, #tpu.memory_space<hbm>>
      %dma_start3A_111 = tpu.memref_squeeze %dma_start3A_110 : memref<1x128xf32, #tpu.memory_space<hbm>> -> memref<128xf32, #tpu.memory_space<hbm>>
      %dma_start3A_112 = arith.constant 128 : i32
      %dma_start3A_113 = tpu.memref_slice %arg7[%dma_start3A_112] : memref<384xf32, #tpu.memory_space<vmem>> -> memref<128xf32, #tpu.memory_space<vmem>>
      %dma_start3A_114 = tpu.memref_slice %arg3[%select_n3A, %add3A_38] : memref<4x3072xf32, #tpu.memory_space<hbm>> -> memref<1x128xf32, #tpu.memory_space<hbm>>
      %dma_start3A_115 = tpu.memref_squeeze %dma_start3A_114 : memref<1x128xf32, #tpu.memory_space<hbm>> -> memref<128xf32, #tpu.memory_space<hbm>>
      tpu.enqueue_dma source(%dma_start3A_115 : memref<128xf32, #tpu.memory_space<hbm>>) target(%dma_start3A_113 : memref<128xf32, #tpu.memory_space<vmem>>) target_semaphore(%run_scoped3A : memref<!tpu.dma_semaphore, #tpu.memory_space<semaphore_mem>>)
      %dma_wait3A_116 = arith.constant 128 : i32
      %dma_wait3A_117 = tpu.memref_slice %arg7[%dma_wait3A_116] : memref<384xf32, #tpu.memory_space<vmem>> -> memref<128xf32, #tpu.memory_space<vmem>>
      %dma_wait3A_118 = tpu.memref_slice %arg3[%select_n3A, %add3A_38] : memref<4x3072xf32, #tpu.memory_space<hbm>> -> memref<1x128xf32, #tpu.memory_space<hbm>>
      %dma_wait3A_119 = tpu.memref_squeeze %dma_wait3A_118 : memref<1x128xf32, #tpu.memory_space<hbm>> -> memref<128xf32, #tpu.memory_space<hbm>>
      %dma_wait3A_120 = arith.constant 128 : i32
      %dma_wait3A_121 = tpu.memref_slice %arg7[%dma_wait3A_120] : memref<384xf32, #tpu.memory_space<vmem>> -> memref<128xf32, #tpu.memory_space<vmem>>
      %dma_wait3A_122 = tpu.memref_slice %arg3[%select_n3A, %add3A_38] : memref<4x3072xf32, #tpu.memory_space<hbm>> -> memref<1x128xf32, #tpu.memory_space<hbm>>
      %dma_wait3A_123 = tpu.memref_squeeze %dma_wait3A_122 : memref<1x128xf32, #tpu.memory_space<hbm>> -> memref<128xf32, #tpu.memory_space<hbm>>
      tpu.wait_dma2 semaphore(%run_scoped3A : memref<!tpu.dma_semaphore, #tpu.memory_space<semaphore_mem>>) src(%dma_wait3A_123 : memref<128xf32, #tpu.memory_space<hbm>>) dst(%dma_wait3A_121 : memref<128xf32, #tpu.memory_space<vmem>>)
      tpu.yield
    }) : () -> ()
    %add3A_39 = arith.constant 2048 : i32
    %add3A_40 = arith.addi %add3A_39, %mul3A_32 : i32
    "tpu.region"() ({
      %run_scoped3A = tpu.sem_alloc : memref<!tpu.dma_semaphore, #tpu.memory_space<semaphore_mem>>
      %dma_start3A_108 = arith.constant 256 : i32
      %dma_start3A_109 = tpu.memref_slice %arg7[%dma_start3A_108] : memref<384xf32, #tpu.memory_space<vmem>> -> memref<128xf32, #tpu.memory_space<vmem>>
      %dma_start3A_110 = tpu.memref_slice %arg3[%select_n3A, %add3A_40] : memref<4x3072xf32, #tpu.memory_space<hbm>> -> memref<1x128xf32, #tpu.memory_space<hbm>>
      %dma_start3A_111 = tpu.memref_squeeze %dma_start3A_110 : memref<1x128xf32, #tpu.memory_space<hbm>> -> memref<128xf32, #tpu.memory_space<hbm>>
      %dma_start3A_112 = arith.constant 256 : i32
      %dma_start3A_113 = tpu.memref_slice %arg7[%dma_start3A_112] : memref<384xf32, #tpu.memory_space<vmem>> -> memref<128xf32, #tpu.memory_space<vmem>>
      %dma_start3A_114 = tpu.memref_slice %arg3[%select_n3A, %add3A_40] : memref<4x3072xf32, #tpu.memory_space<hbm>> -> memref<1x128xf32, #tpu.memory_space<hbm>>
      %dma_start3A_115 = tpu.memref_squeeze %dma_start3A_114 : memref<1x128xf32, #tpu.memory_space<hbm>> -> memref<128xf32, #tpu.memory_space<hbm>>
      tpu.enqueue_dma source(%dma_start3A_115 : memref<128xf32, #tpu.memory_space<hbm>>) target(%dma_start3A_113 : memref<128xf32, #tpu.memory_space<vmem>>) target_semaphore(%run_scoped3A : memref<!tpu.dma_semaphore, #tpu.memory_space<semaphore_mem>>)
      %dma_wait3A_116 = arith.constant 256 : i32
      %dma_wait3A_117 = tpu.memref_slice %arg7[%dma_wait3A_116] : memref<384xf32, #tpu.memory_space<vmem>> -> memref<128xf32, #tpu.memory_space<vmem>>
      %dma_wait3A_118 = tpu.memref_slice %arg3[%select_n3A, %add3A_40] : memref<4x3072xf32, #tpu.memory_space<hbm>> -> memref<1x128xf32, #tpu.memory_space<hbm>>
      %dma_wait3A_119 = tpu.memref_squeeze %dma_wait3A_118 : memref<1x128xf32, #tpu.memory_space<hbm>> -> memref<128xf32, #tpu.memory_space<hbm>>
      %dma_wait3A_120 = arith.constant 256 : i32
      %dma_wait3A_121 = tpu.memref_slice %arg7[%dma_wait3A_120] : memref<384xf32, #tpu.memory_space<vmem>> -> memref<128xf32, #tpu.memory_space<vmem>>
      %dma_wait3A_122 = tpu.memref_slice %arg3[%select_n3A, %add3A_40] : memref<4x3072xf32, #tpu.memory_space<hbm>> -> memref<1x128xf32, #tpu.memory_space<hbm>>
      %dma_wait3A_123 = tpu.memref_squeeze %dma_wait3A_122 : memref<1x128xf32, #tpu.memory_space<hbm>> -> memref<128xf32, #tpu.memory_space<hbm>>
      tpu.wait_dma2 semaphore(%run_scoped3A : memref<!tpu.dma_semaphore, #tpu.memory_space<semaphore_mem>>) src(%dma_wait3A_123 : memref<128xf32, #tpu.memory_space<hbm>>) dst(%dma_wait3A_121 : memref<128xf32, #tpu.memory_space<vmem>>)
      tpu.yield
    }) : () -> ()
    %iota3A = tpu.iota {dimensions = array<i32: 0>} : vector<16xi32>
    %dma_start3A = arith.constant 0 : i32
    %dma_start3A_41 = arith.constant 0 : i32
    %dma_start3A_42 = tpu.memref_slice %arg12[%dma_start3A, %dma_start3A_41] : memref<262x64xf32, #tpu.memory_space<vmem>> -> memref<131x64xf32, #tpu.memory_space<vmem>>
    %dma_start3A_43 = arith.constant 0 : i32
    %dma_start3A_44 = arith.constant 0 : i32
    %dma_start3A_45 = tpu.memref_slice %arg5[%select_n3A, %dma_start3A_43, %mul3A_32, %dma_start3A_44] : memref<4x131x1024x64xf32, #tpu.memory_space<hbm>> -> memref<1x131x1x64xf32, #tpu.memory_space<hbm>>
    %dma_start3A_46 = tpu.memref_squeeze %dma_start3A_45 : memref<1x131x1x64xf32, #tpu.memory_space<hbm>> -> memref<131x64xf32, #tpu.memory_space<hbm>>
    %dma_start3A_47 = arith.constant 0 : i32
    %dma_start3A_48 = arith.constant 0 : i32
    %dma_start3A_49 = tpu.memref_slice %arg12[%dma_start3A_47, %dma_start3A_48] : memref<262x64xf32, #tpu.memory_space<vmem>> -> memref<131x64xf32, #tpu.memory_space<vmem>>
    %dma_start3A_50 = arith.constant 0 : i32
    %dma_start3A_51 = arith.constant 0 : i32
    %dma_start3A_52 = tpu.memref_slice %arg5[%select_n3A, %dma_start3A_50, %mul3A_32, %dma_start3A_51] : memref<4x131x1024x64xf32, #tpu.memory_space<hbm>> -> memref<1x131x1x64xf32, #tpu.memory_space<hbm>>
    %dma_start3A_53 = tpu.memref_squeeze %dma_start3A_52 : memref<1x131x1x64xf32, #tpu.memory_space<hbm>> -> memref<131x64xf32, #tpu.memory_space<hbm>>
    tpu.enqueue_dma source(%dma_start3A_53 : memref<131x64xf32, #tpu.memory_space<hbm>>) target(%dma_start3A_49 : memref<131x64xf32, #tpu.memory_space<vmem>>) target_semaphore(%arg14 : memref<!tpu.dma_semaphore, #tpu.memory_space<semaphore_mem>>)
    %add3A_54 = arith.constant 1 : i32
    %add3A_55 = arith.addi %mul3A_32, %add3A_54 : i32
    %dma_start3A_56 = arith.constant 131 : i32
    %dma_start3A_57 = arith.constant 0 : i32
    %dma_start3A_58 = tpu.memref_slice %arg12[%dma_start3A_56, %dma_start3A_57] : memref<262x64xf32, #tpu.memory_space<vmem>> -> memref<131x64xf32, #tpu.memory_space<vmem>>
    %dma_start3A_59 = arith.constant 0 : i32
    %dma_start3A_60 = arith.constant 0 : i32
    %dma_start3A_61 = tpu.memref_slice %arg5[%select_n3A, %dma_start3A_59, %add3A_55, %dma_start3A_60] : memref<4x131x1024x64xf32, #tpu.memory_space<hbm>> -> memref<1x131x1x64xf32, #tpu.memory_space<hbm>>
    %dma_start3A_62 = tpu.memref_squeeze %dma_start3A_61 : memref<1x131x1x64xf32, #tpu.memory_space<hbm>> -> memref<131x64xf32, #tpu.memory_space<hbm>>
    %dma_start3A_63 = arith.constant 131 : i32
    %dma_start3A_64 = arith.constant 0 : i32
    %dma_start3A_65 = tpu.memref_slice %arg12[%dma_start3A_63, %dma_start3A_64] : memref<262x64xf32, #tpu.memory_space<vmem>> -> memref<131x64xf32, #tpu.memory_space<vmem>>
    %dma_start3A_66 = arith.constant 0 : i32
    %dma_start3A_67 = arith.constant 0 : i32
    %dma_start3A_68 = tpu.memref_slice %arg5[%select_n3A, %dma_start3A_66, %add3A_55, %dma_start3A_67] : memref<4x131x1024x64xf32, #tpu.memory_space<hbm>> -> memref<1x131x1x64xf32, #tpu.memory_space<hbm>>
    %dma_start3A_69 = tpu.memref_squeeze %dma_start3A_68 : memref<1x131x1x64xf32, #tpu.memory_space<hbm>> -> memref<131x64xf32, #tpu.memory_space<hbm>>
    tpu.enqueue_dma source(%dma_start3A_69 : memref<131x64xf32, #tpu.memory_space<hbm>>) target(%dma_start3A_65 : memref<131x64xf32, #tpu.memory_space<vmem>>) target_semaphore(%arg14 : memref<!tpu.dma_semaphore, #tpu.memory_space<semaphore_mem>>)
    %scan3A = arith.constant 4.000000e-02 : f32
    %scan3A_70 = arith.constant 0 : i32
    %scan3A_71 = arith.constant 0 : i32
    %scan3A_72 = arith.constant 129 : i32
    %scan3A_73 = arith.addi %scan3A_71, %scan3A_72 : i32
    %scan3A_74 = arith.constant 1 : i32
    %scan3A_75 = scf.for %scan3A_108 = %scan3A_71 to %scan3A_73 step %scan3A_74 iter_args(%scan3A_109 = %scan3A_70) -> (i32)  : i32 {
      %ge3A = arith.constant 1 : i32
      %ge3A_110 = arith.cmpi sge, %scan3A_108, %ge3A : i32
      %convert_element_type3A = arith.extui %ge3A_110 : i1 to i32
      %cond3A = arith.constant 0 : i32
      %cond3A_111 = arith.cmpi ne, %convert_element_type3A, %cond3A : i32
      scf.if %cond3A_111 {
        %sub3A_118 = arith.constant 1 : i32
        %sub3A_119 = arith.subi %scan3A_108, %sub3A_118 : i32
        %sub3A_120 = arith.constant 1 : i32
        %sub3A_121 = arith.subi %scan3A_108, %sub3A_120 : i32
        %jit3A_122 = arith.constant 2 : i32
        %eq3A_123 = arith.constant 0 : i32
        %eq3A_124 = arith.cmpi eq, %jit3A_122, %eq3A_123 : i32
        %jit3A_125 = arith.constant 1 : i32
        %select_n3A_126 = arith.select %eq3A_124, %jit3A_125, %jit3A_122 : i32
        %rem3A_127 = arith.remsi %sub3A_121, %select_n3A_126 : i32
        %ne3A_128 = arith.constant 0 : i32
        %ne3A_129 = arith.cmpi ne, %rem3A_127, %ne3A_128 : i32
        %lt3A_130 = arith.constant 0 : i32
        %lt3A_131 = arith.cmpi slt, %rem3A_127, %lt3A_130 : i32
        %lt3A_132 = arith.constant 0 : i32
        %lt3A_133 = arith.cmpi slt, %select_n3A_126, %lt3A_132 : i32
        %ne3A_134 = arith.xori %lt3A_131, %lt3A_133 : i1
        %and3A_135 = arith.andi %ne3A_134, %ne3A_129 : i1
        %add3A_136 = arith.addi %rem3A_127, %select_n3A_126 : i32
        %select_n3A_137 = arith.select %and3A_135, %add3A_136, %rem3A_127 : i32
        %broadcast_in_dim3A = vector.broadcast %sub3A_119 : i32 to vector<16xi32>
        %gather3A = tpu.vector_load_idx %arg7[%broadcast_in_dim3A] : memref<384xf32, #tpu.memory_space<vmem>>[vector<16xi32>], vector<16xf32>,
        %add3A_138 = arith.constant 128 : i32
        %add3A_139 = vector.broadcast %add3A_138 : i32 to vector<16xi32>
        %add3A_140 = arith.addi %broadcast_in_dim3A, %add3A_139 : vector<16xi32>
        %gather3A_141 = tpu.vector_load_idx %arg7[%add3A_140] : memref<384xf32, #tpu.memory_space<vmem>>[vector<16xi32>], vector<16xf32>,
        %add3A_142 = arith.constant 256 : i32
        %add3A_143 = vector.broadcast %add3A_142 : i32 to vector<16xi32>
        %add3A_144 = arith.addi %broadcast_in_dim3A, %add3A_143 : vector<16xi32>
        %gather3A_145 = tpu.vector_load_idx %arg7[%add3A_144] : memref<384xf32, #tpu.memory_space<vmem>>[vector<16xi32>], vector<16xf32>,
        %broadcast_in_dim3A_146 = vector.broadcast %select_n3A_137 : i32 to vector<16xi32>
        %mul3A_147 = arith.constant 131 : i32
        %mul3A_148 = arith.muli %select_n3A_137, %mul3A_147 : i32
        %add3A_149 = arith.addi %mul3A_32, %sub3A_119 : i32
        %dma_wait3A_150 = arith.constant 0 : i32
        %dma_wait3A_151 = tpu.memref_slice %arg12[%mul3A_148, %dma_wait3A_150] : memref<262x64xf32, #tpu.memory_space<vmem>> -> memref<64x64xf32, #tpu.memory_space<vmem>>
        %dma_wait3A_152 = arith.constant 0 : i32
        %dma_wait3A_153 = arith.constant 0 : i32
        %dma_wait3A_154 = tpu.memref_slice %arg5[%select_n3A, %dma_wait3A_152, %add3A_149, %dma_wait3A_153] : memref<4x131x1024x64xf32, #tpu.memory_space<hbm>> -> memref<1x64x1x64xf32, #tpu.memory_space<hbm>>
        %dma_wait3A_155 = tpu.memref_squeeze %dma_wait3A_154 : memref<1x64x1x64xf32, #tpu.memory_space<hbm>> -> memref<64x64xf32, #tpu.memory_space<hbm>>
        %dma_wait3A_156 = arith.constant 0 : i32
        %dma_wait3A_157 = arith.constant 0 : i32
        %dma_wait3A_158 = tpu.memref_slice %arg5[%select_n3A, %dma_wait3A_156, %add3A_149, %dma_wait3A_157] : memref<4x131x1024x64xf32, #tpu.memory_space<hbm>> -> memref<1x64x1x64xf32, #tpu.memory_space<hbm>>
        %dma_wait3A_159 = tpu.memref_squeeze %dma_wait3A_158 : memref<1x64x1x64xf32, #tpu.memory_space<hbm>> -> memref<64x64xf32, #tpu.memory_space<hbm>>
        %dma_wait3A_160 = arith.constant 0 : i32
        %dma_wait3A_161 = tpu.memref_slice %arg12[%mul3A_148, %dma_wait3A_160] : memref<262x64xf32, #tpu.memory_space<vmem>> -> memref<64x64xf32, #tpu.memory_space<vmem>>
        tpu.wait_dma2 semaphore(%arg14 : memref<!tpu.dma_semaphore, #tpu.memory_space<semaphore_mem>>) src(%dma_wait3A_161 : memref<64x64xf32, #tpu.memory_space<vmem>>) dst(%dma_wait3A_159 : memref<64x64xf32, #tpu.memory_space<hbm>>)
        %mul3A_162 = arith.constant 131 : i32
        %mul3A_163 = vector.broadcast %mul3A_162 : i32 to vector<16xi32>
        %mul3A_164 = arith.muli %broadcast_in_dim3A_146, %mul3A_163 : vector<16xi32>
        %add3A_165 = arith.constant 0 : i32
        %add3A_166 = vector.broadcast %add3A_165 : i32 to vector<16xi32>
        %add3A_167 = arith.addi %add3A_166, %iota3A : vector<16xi32>
        %gather3A_168 = tpu.vector_load_idx %arg9[%broadcast_in_dim3A_146, %add3A_167] : memref<2x64xi32, #tpu.memory_space<vmem>>[vector<16xi32>, vector<16xi32>], vector<16xi32>,
        %gather3A_169 = tpu.vector_load_idx %arg6[%gather3A_168] : memref<49152xf32, #tpu.memory_space<vmem>>[vector<16xi32>], vector<16xf32>,
        %add3A_170 = arith.constant 16384 : i32
        %add3A_171 = vector.broadcast %add3A_170 : i32 to vector<16xi32>
        %add3A_172 = arith.addi %gather3A_168, %add3A_171 : vector<16xi32>
        %gather3A_173 = tpu.vector_load_idx %arg6[%add3A_172] : memref<49152xf32, #tpu.memory_space<vmem>>[vector<16xi32>], vector<16xf32>,
        %add3A_174 = arith.constant 32768 : i32
        %add3A_175 = vector.broadcast %add3A_174 : i32 to vector<16xi32>
        %add3A_176 = arith.addi %gather3A_168, %add3A_175 : vector<16xi32>
        %gather3A_177 = tpu.vector_load_idx %arg6[%add3A_176] : memref<49152xf32, #tpu.memory_space<vmem>>[vector<16xi32>], vector<16xf32>,
        %sub3A_178 = arith.subf %gather3A_169, %gather3A : vector<16xf32>
        tpu.vector_store_idx %arg12[%mul3A_164, %add3A_167], %sub3A_178 : memref<262x64xf32, #tpu.memory_space<vmem>>[vector<16xi32>, vector<16xi32>], vector<16xf32>,
        %add3A_179 = arith.constant 1 : i32
        %add3A_180 = vector.broadcast %add3A_179 : i32 to vector<16xi32>
        %add3A_181 = arith.addi %mul3A_164, %add3A_180 : vector<16xi32>
        %sub3A_182 = arith.subf %gather3A_173, %gather3A_141 : vector<16xf32>
        tpu.vector_store_idx %arg12[%add3A_181, %add3A_167], %sub3A_182 : memref<262x64xf32, #tpu.memory_space<vmem>>[vector<16xi32>, vector<16xi32>], vector<16xf32>,
        %add3A_183 = arith.constant 2 : i32
        %add3A_184 = vector.broadcast %add3A_183 : i32 to vector<16xi32>
        %add3A_185 = arith.addi %mul3A_164, %add3A_184 : vector<16xi32>
        %sub3A_186 = arith.subf %gather3A_177, %gather3A_145 : vector<16xf32>
        tpu.vector_store_idx %arg12[%add3A_185, %add3A_167], %sub3A_186 : memref<262x64xf32, #tpu.memory_space<vmem>>[vector<16xi32>, vector<16xi32>], vector<16xf32>,
        %add3A_187 = arith.constant 16 : i32
        %add3A_188 = vector.broadcast %add3A_187 : i32 to vector<16xi32>
        %add3A_189 = arith.addi %add3A_188, %iota3A : vector<16xi32>
        %gather3A_190 = tpu.vector_load_idx %arg9[%broadcast_in_dim3A_146, %add3A_189] : memref<2x64xi32, #tpu.memory_space<vmem>>[vector<16xi32>, vector<16xi32>], vector<16xi32>,
        %gather3A_191 = tpu.vector_load_idx %arg6[%gather3A_190] : memref<49152xf32, #tpu.memory_space<vmem>>[vector<16xi32>], vector<16xf32>,
        %add3A_192 = arith.constant 16384 : i32
        %add3A_193 = vector.broadcast %add3A_192 : i32 to vector<16xi32>
        %add3A_194 = arith.addi %gather3A_190, %add3A_193 : vector<16xi32>
        %gather3A_195 = tpu.vector_load_idx %arg6[%add3A_194] : memref<49152xf32, #tpu.memory_space<vmem>>[vector<16xi32>], vector<16xf32>,
        %add3A_196 = arith.constant 32768 : i32
        %add3A_197 = vector.broadcast %add3A_196 : i32 to vector<16xi32>
        %add3A_198 = arith.addi %gather3A_190, %add3A_197 : vector<16xi32>
        %gather3A_199 = tpu.vector_load_idx %arg6[%add3A_198] : memref<49152xf32, #tpu.memory_space<vmem>>[vector<16xi32>], vector<16xf32>,
        %sub3A_200 = arith.subf %gather3A_191, %gather3A : vector<16xf32>
        tpu.vector_store_idx %arg12[%mul3A_164, %add3A_189], %sub3A_200 : memref<262x64xf32, #tpu.memory_space<vmem>>[vector<16xi32>, vector<16xi32>], vector<16xf32>,
        %add3A_201 = arith.constant 1 : i32
        %add3A_202 = vector.broadcast %add3A_201 : i32 to vector<16xi32>
        %add3A_203 = arith.addi %mul3A_164, %add3A_202 : vector<16xi32>
        %sub3A_204 = arith.subf %gather3A_195, %gather3A_141 : vector<16xf32>
        tpu.vector_store_idx %arg12[%add3A_203, %add3A_189], %sub3A_204 : memref<262x64xf32, #tpu.memory_space<vmem>>[vector<16xi32>, vector<16xi32>], vector<16xf32>,
        %add3A_205 = arith.constant 2 : i32
        %add3A_206 = vector.broadcast %add3A_205 : i32 to vector<16xi32>
        %add3A_207 = arith.addi %mul3A_164, %add3A_206 : vector<16xi32>
        %sub3A_208 = arith.subf %gather3A_199, %gather3A_145 : vector<16xf32>
        tpu.vector_store_idx %arg12[%add3A_207, %add3A_189], %sub3A_208 : memref<262x64xf32, #tpu.memory_space<vmem>>[vector<16xi32>, vector<16xi32>], vector<16xf32>,
        %add3A_209 = arith.constant 32 : i32
        %add3A_210 = vector.broadcast %add3A_209 : i32 to vector<16xi32>
        %add3A_211 = arith.addi %add3A_210, %iota3A : vector<16xi32>
        %gather3A_212 = tpu.vector_load_idx %arg9[%broadcast_in_dim3A_146, %add3A_211] : memref<2x64xi32, #tpu.memory_space<vmem>>[vector<16xi32>, vector<16xi32>], vector<16xi32>,
        %gather3A_213 = tpu.vector_load_idx %arg6[%gather3A_212] : memref<49152xf32, #tpu.memory_space<vmem>>[vector<16xi32>], vector<16xf32>,
        %add3A_214 = arith.constant 16384 : i32
        %add3A_215 = vector.broadcast %add3A_214 : i32 to vector<16xi32>
        %add3A_216 = arith.addi %gather3A_212, %add3A_215 : vector<16xi32>
        %gather3A_217 = tpu.vector_load_idx %arg6[%add3A_216] : memref<49152xf32, #tpu.memory_space<vmem>>[vector<16xi32>], vector<16xf32>,
        %add3A_218 = arith.constant 32768 : i32
        %add3A_219 = vector.broadcast %add3A_218 : i32 to vector<16xi32>
        %add3A_220 = arith.addi %gather3A_212, %add3A_219 : vector<16xi32>
        %gather3A_221 = tpu.vector_load_idx %arg6[%add3A_220] : memref<49152xf32, #tpu.memory_space<vmem>>[vector<16xi32>], vector<16xf32>,
        %sub3A_222 = arith.subf %gather3A_213, %gather3A : vector<16xf32>
        tpu.vector_store_idx %arg12[%mul3A_164, %add3A_211], %sub3A_222 : memref<262x64xf32, #tpu.memory_space<vmem>>[vector<16xi32>, vector<16xi32>], vector<16xf32>,
        %add3A_223 = arith.constant 1 : i32
        %add3A_224 = vector.broadcast %add3A_223 : i32 to vector<16xi32>
        %add3A_225 = arith.addi %mul3A_164, %add3A_224 : vector<16xi32>
        %sub3A_226 = arith.subf %gather3A_217, %gather3A_141 : vector<16xf32>
        tpu.vector_store_idx %arg12[%add3A_225, %add3A_211], %sub3A_226 : memref<262x64xf32, #tpu.memory_space<vmem>>[vector<16xi32>, vector<16xi32>], vector<16xf32>,
        %add3A_227 = arith.constant 2 : i32
        %add3A_228 = vector.broadcast %add3A_227 : i32 to vector<16xi32>
        %add3A_229 = arith.addi %mul3A_164, %add3A_228 : vector<16xi32>
        %sub3A_230 = arith.subf %gather3A_221, %gather3A_145 : vector<16xf32>
        tpu.vector_store_idx %arg12[%add3A_229, %add3A_211], %sub3A_230 : memref<262x64xf32, #tpu.memory_space<vmem>>[vector<16xi32>, vector<16xi32>], vector<16xf32>,
        %add3A_231 = arith.constant 48 : i32
        %add3A_232 = vector.broadcast %add3A_231 : i32 to vector<16xi32>
        %add3A_233 = arith.addi %add3A_232, %iota3A : vector<16xi32>
        %gather3A_234 = tpu.vector_load_idx %arg9[%broadcast_in_dim3A_146, %add3A_233] : memref<2x64xi32, #tpu.memory_space<vmem>>[vector<16xi32>, vector<16xi32>], vector<16xi32>,
        %gather3A_235 = tpu.vector_load_idx %arg6[%gather3A_234] : memref<49152xf32, #tpu.memory_space<vmem>>[vector<16xi32>], vector<16xf32>,
        %add3A_236 = arith.constant 16384 : i32
        %add3A_237 = vector.broadcast %add3A_236 : i32 to vector<16xi32>
        %add3A_238 = arith.addi %gather3A_234, %add3A_237 : vector<16xi32>
        %gather3A_239 = tpu.vector_load_idx %arg6[%add3A_238] : memref<49152xf32, #tpu.memory_space<vmem>>[vector<16xi32>], vector<16xf32>,
        %add3A_240 = arith.constant 32768 : i32
        %add3A_241 = vector.broadcast %add3A_240 : i32 to vector<16xi32>
        %add3A_242 = arith.addi %gather3A_234, %add3A_241 : vector<16xi32>
        %gather3A_243 = tpu.vector_load_idx %arg6[%add3A_242] : memref<49152xf32, #tpu.memory_space<vmem>>[vector<16xi32>], vector<16xf32>,
        %sub3A_244 = arith.subf %gather3A_235, %gather3A : vector<16xf32>
        tpu.vector_store_idx %arg12[%mul3A_164, %add3A_233], %sub3A_244 : memref<262x64xf32, #tpu.memory_space<vmem>>[vector<16xi32>, vector<16xi32>], vector<16xf32>,
        %add3A_245 = arith.constant 1 : i32
        %add3A_246 = vector.broadcast %add3A_245 : i32 to vector<16xi32>
        %add3A_247 = arith.addi %mul3A_164, %add3A_246 : vector<16xi32>
        %sub3A_248 = arith.subf %gather3A_239, %gather3A_141 : vector<16xf32>
        tpu.vector_store_idx %arg12[%add3A_247, %add3A_233], %sub3A_248 : memref<262x64xf32, #tpu.memory_space<vmem>>[vector<16xi32>, vector<16xi32>], vector<16xf32>,
        %add3A_249 = arith.constant 2 : i32
        %add3A_250 = vector.broadcast %add3A_249 : i32 to vector<16xi32>
        %add3A_251 = arith.addi %mul3A_164, %add3A_250 : vector<16xi32>
        %sub3A_252 = arith.subf %gather3A_243, %gather3A_145 : vector<16xf32>
        tpu.vector_store_idx %arg12[%add3A_251, %add3A_233], %sub3A_252 : memref<262x64xf32, #tpu.memory_space<vmem>>[vector<16xi32>, vector<16xi32>], vector<16xf32>,
        %mul3A_253 = arith.constant 64 : i32
        %mul3A_254 = arith.muli %select_n3A_137, %mul3A_253 : i32
        %dma_wait3A_255 = arith.constant 0 : i32
        %dma_wait3A_256 = tpu.memref_slice %arg11[%mul3A_254, %dma_wait3A_255] : memref<128x128xf32, #tpu.memory_space<vmem>> -> memref<64x128xf32, #tpu.memory_space<vmem>>
        %dma_wait3A_257 = arith.constant 0 : i32
        %dma_wait3A_258 = tpu.memref_slice %arg10[%select_n3A_137, %dma_wait3A_257] : memref<2x64xi32, #tpu.memory_space<vmem>> -> memref<1x64xi32, #tpu.memory_space<vmem>>
        %dma_wait3A_259 = tpu.memref_squeeze %dma_wait3A_258 : memref<1x64xi32, #tpu.memory_space<vmem>> -> memref<64xi32, #tpu.memory_space<vmem>>
        %dma_wait3A_260 = arith.constant 0 : i32
        %dma_wait3A_261 = arith.constant 0 : i32
        %dma_wait3A_262 = tpu.memref_slice %arg4[%dma_wait3A_260, %dma_wait3A_261] : memref<65536x128xf32, #tpu.memory_space<hbm>> -> memref<65536x128xf32, #tpu.memory_space<hbm>>
        tpu.wait_indirect_dma semaphore(%arg13 : memref<!tpu.dma_semaphore, #tpu.memory_space<semaphore_mem>>) src(%dma_wait3A_262 : memref<65536x128xf32, #tpu.memory_space<hbm>>) dst(%dma_wait3A_256 : memref<64x128xf32, #tpu.memory_space<vmem>>)
        %add3A_263 = arith.constant 0 : i32
        %add3A_264 = vector.broadcast %add3A_263 : i32 to vector<16xi32>
        %add3A_265 = arith.addi %add3A_264, %iota3A : vector<16xi32>
        %add3A_266 = arith.constant 16 : i32
        %add3A_267 = vector.broadcast %add3A_266 : i32 to vector<16xi32>
        %add3A_268 = arith.addi %add3A_267, %iota3A : vector<16xi32>
        %add3A_269 = arith.constant 32 : i32
        %add3A_270 = vector.broadcast %add3A_269 : i32 to vector<16xi32>
        %add3A_271 = arith.addi %add3A_270, %iota3A : vector<16xi32>
        %add3A_272 = arith.constant 48 : i32
        %add3A_273 = vector.broadcast %add3A_272 : i32 to vector<16xi32>
        %add3A_274 = arith.addi %add3A_273, %iota3A : vector<16xi32>
        %mul3A_275 = arith.constant 64 : i32
        %mul3A_276 = arith.muli %select_n3A_137, %mul3A_275 : i32
        %add3A_277 = vector.broadcast %mul3A_276 : i32 to vector<16xi32>
        %add3A_278 = arith.addi %add3A_277, %add3A_265 : vector<16xi32>
        %mul3A_279 = arith.constant 64 : i32
        %mul3A_280 = arith.muli %select_n3A_137, %mul3A_279 : i32
        %add3A_281 = vector.broadcast %mul3A_280 : i32 to vector<16xi32>
        %add3A_282 = arith.addi %add3A_281, %add3A_268 : vector<16xi32>
        %mul3A_283 = arith.constant 64 : i32
        %mul3A_284 = arith.muli %select_n3A_137, %mul3A_283 : i32
        %add3A_285 = vector.broadcast %mul3A_284 : i32 to vector<16xi32>
        %add3A_286 = arith.addi %add3A_285, %add3A_271 : vector<16xi32>
        %mul3A_287 = arith.constant 64 : i32
        %mul3A_288 = arith.muli %select_n3A_137, %mul3A_287 : i32
        %add3A_289 = vector.broadcast %mul3A_288 : i32 to vector<16xi32>
        %add3A_290 = arith.addi %add3A_289, %add3A_274 : vector<16xi32>
        %add3A_291 = arith.constant 3 : i32
        %add3A_292 = vector.broadcast %add3A_291 : i32 to vector<16xi32>
        %add3A_293 = arith.addi %mul3A_164, %add3A_292 : vector<16xi32>
        %parallel_loop3A = arith.constant 0 : i32
        %parallel_loop3A_294 = arith.constant 128 : i32
        %parallel_loop3A_295 = arith.constant 1 : i32
        scf.for %parallel_loop3A_311 = %parallel_loop3A to %parallel_loop3A_294 step %parallel_loop3A_295  : i32 {
          %parallel_loop3A_312 = vector.broadcast %parallel_loop3A_311 : i32 to vector<16xi32>
          %parallel_loop3A_313 = arith.addi %add3A_293, %parallel_loop3A_312 : vector<16xi32>
          %parallel_loop3A_314 = tpu.vector_load_idx %arg11[%add3A_278, %parallel_loop3A_312] : memref<128x128xf32, #tpu.memory_space<vmem>>[vector<16xi32>, vector<16xi32>], vector<16xf32>,
          tpu.vector_store_idx %arg12[%parallel_loop3A_313, %add3A_265], %parallel_loop3A_314 : memref<262x64xf32, #tpu.memory_space<vmem>>[vector<16xi32>, vector<16xi32>], vector<16xf32>,
          %parallel_loop3A_315 = tpu.vector_load_idx %arg11[%add3A_282, %parallel_loop3A_312] : memref<128x128xf32, #tpu.memory_space<vmem>>[vector<16xi32>, vector<16xi32>], vector<16xf32>,
          tpu.vector_store_idx %arg12[%parallel_loop3A_313, %add3A_268], %parallel_loop3A_315 : memref<262x64xf32, #tpu.memory_space<vmem>>[vector<16xi32>, vector<16xi32>], vector<16xf32>,
          %parallel_loop3A_316 = tpu.vector_load_idx %arg11[%add3A_286, %parallel_loop3A_312] : memref<128x128xf32, #tpu.memory_space<vmem>>[vector<16xi32>, vector<16xi32>], vector<16xf32>,
          tpu.vector_store_idx %arg12[%parallel_loop3A_313, %add3A_271], %parallel_loop3A_316 : memref<262x64xf32, #tpu.memory_space<vmem>>[vector<16xi32>, vector<16xi32>], vector<16xf32>,
          %parallel_loop3A_317 = tpu.vector_load_idx %arg11[%add3A_290, %parallel_loop3A_312] : memref<128x128xf32, #tpu.memory_space<vmem>>[vector<16xi32>, vector<16xi32>], vector<16xf32>,
          tpu.vector_store_idx %arg12[%parallel_loop3A_313, %add3A_274], %parallel_loop3A_317 : memref<262x64xf32, #tpu.memory_space<vmem>>[vector<16xi32>, vector<16xi32>], vector<16xf32>,
        } {sc.loop_unroll_factor = 16 : i64, sc.parallel_access}
        %mul3A_296 = arith.constant 131 : i32
        %mul3A_297 = arith.muli %select_n3A_137, %mul3A_296 : i32
        %add3A_298 = arith.addi %mul3A_32, %sub3A_119 : i32
        %dma_start3A_299 = arith.constant 0 : i32
        %dma_start3A_300 = tpu.memref_slice %arg12[%mul3A_297, %dma_start3A_299] : memref<262x64xf32, #tpu.memory_space<vmem>> -> memref<64x64xf32, #tpu.memory_space<vmem>>
        %dma_start3A_301 = arith.constant 0 : i32
        %dma_start3A_302 = arith.constant 0 : i32
        %dma_start3A_303 = tpu.memref_slice %arg5[%select_n3A, %dma_start3A_301, %add3A_298, %dma_start3A_302] : memref<4x131x1024x64xf32, #tpu.memory_space<hbm>> -> memref<1x64x1x64xf32, #tpu.memory_space<hbm>>
        %dma_start3A_304 = tpu.memref_squeeze %dma_start3A_303 : memref<1x64x1x64xf32, #tpu.memory_space<hbm>> -> memref<64x64xf32, #tpu.memory_space<hbm>>
        %dma_start3A_305 = arith.constant 0 : i32
        %dma_start3A_306 = arith.constant 0 : i32
        %dma_start3A_307 = tpu.memref_slice %arg5[%select_n3A, %dma_start3A_305, %add3A_298, %dma_start3A_306] : memref<4x131x1024x64xf32, #tpu.memory_space<hbm>> -> memref<1x64x1x64xf32, #tpu.memory_space<hbm>>
        %dma_start3A_308 = tpu.memref_squeeze %dma_start3A_307 : memref<1x64x1x64xf32, #tpu.memory_space<hbm>> -> memref<64x64xf32, #tpu.memory_space<hbm>>
        %dma_start3A_309 = arith.constant 0 : i32
        %dma_start3A_310 = tpu.memref_slice %arg12[%mul3A_297, %dma_start3A_309] : memref<262x64xf32, #tpu.memory_space<vmem>> -> memref<64x64xf32, #tpu.memory_space<vmem>>
        tpu.enqueue_dma source(%dma_start3A_310 : memref<64x64xf32, #tpu.memory_space<vmem>>) target(%dma_start3A_308 : memref<64x64xf32, #tpu.memory_space<hbm>>) target_semaphore(%arg14 : memref<!tpu.dma_semaphore, #tpu.memory_space<semaphore_mem>>)
      } else {
      }
      %lt3A_112 = arith.constant 128 : i32
      %lt3A_113 = arith.cmpi slt, %scan3A_108, %lt3A_112 : i32
      %convert_element_type3A_114 = arith.extui %lt3A_113 : i1 to i32
      %cond3A_115 = arith.constant 0 : i32
      %cond3A_116 = arith.cmpi ne, %convert_element_type3A_114, %cond3A_115 : i32
      scf.if %cond3A_116 {
        %jit3A_118 = arith.constant 2 : i32
        %eq3A_119 = arith.constant 0 : i32
        %eq3A_120 = arith.cmpi eq, %jit3A_118, %eq3A_119 : i32
        %jit3A_121 = arith.constant 1 : i32
        %select_n3A_122 = arith.select %eq3A_120, %jit3A_121, %jit3A_118 : i32
        %rem3A_123 = arith.remsi %scan3A_108, %select_n3A_122 : i32
        %ne3A_124 = arith.constant 0 : i32
        %ne3A_125 = arith.cmpi ne, %rem3A_123, %ne3A_124 : i32
        %lt3A_126 = arith.constant 0 : i32
        %lt3A_127 = arith.cmpi slt, %rem3A_123, %lt3A_126 : i32
        %lt3A_128 = arith.constant 0 : i32
        %lt3A_129 = arith.cmpi slt, %select_n3A_122, %lt3A_128 : i32
        %ne3A_130 = arith.xori %lt3A_127, %lt3A_129 : i1
        %and3A_131 = arith.andi %ne3A_130, %ne3A_125 : i1
        %add3A_132 = arith.addi %rem3A_123, %select_n3A_122 : i32
        %select_n3A_133 = arith.select %and3A_131, %add3A_132, %rem3A_123 : i32
        %broadcast_in_dim3A = vector.broadcast %scan3A_108 : i32 to vector<16xi32>
        %gather3A = tpu.vector_load_idx %arg7[%broadcast_in_dim3A] : memref<384xf32, #tpu.memory_space<vmem>>[vector<16xi32>], vector<16xf32>,
        %add3A_134 = arith.constant 128 : i32
        %add3A_135 = vector.broadcast %add3A_134 : i32 to vector<16xi32>
        %add3A_136 = arith.addi %broadcast_in_dim3A, %add3A_135 : vector<16xi32>
        %gather3A_137 = tpu.vector_load_idx %arg7[%add3A_136] : memref<384xf32, #tpu.memory_space<vmem>>[vector<16xi32>], vector<16xf32>,
        %add3A_138 = arith.constant 256 : i32
        %add3A_139 = vector.broadcast %add3A_138 : i32 to vector<16xi32>
        %add3A_140 = arith.addi %broadcast_in_dim3A, %add3A_139 : vector<16xi32>
        %gather3A_141 = tpu.vector_load_idx %arg7[%add3A_140] : memref<384xf32, #tpu.memory_space<vmem>>[vector<16xi32>], vector<16xf32>,
        %broadcast_in_dim3A_142 = arith.constant -1 : i32
        %broadcast_in_dim3A_143 = vector.broadcast %broadcast_in_dim3A_142 : i32 to vector<16xi32>
        %while3A = arith.constant 0 : i32
        %while3A_144:2 = scf.while (%while3A_202 = %broadcast_in_dim3A_143, %while3A_203 = %while3A) : (vector<16xi32>, i32) -> (vector<16xi32>, i32) {
          %lt3A_204 = arith.constant 63 : i32
          %lt3A_205 = vector.broadcast %lt3A_204 : i32 to vector<16xi32>
          %lt3A_206 = arith.cmpi slt, %while3A_202, %lt3A_205 : vector<16xi32>
          %reduce_and3A = arith.constant 1.000000e+00 : f32
          %reduce_and3A_207 = arith.constant 0.000000e+00 : f32
          %reduce_and3A_208 = vector.broadcast %reduce_and3A : f32 to vector<16xf32>
          %reduce_and3A_209 = vector.broadcast %reduce_and3A_207 : f32 to vector<16xf32>
          %reduce_and3A_210 = arith.select %lt3A_206, %reduce_and3A_208, %reduce_and3A_209 : vector<16xi1>, vector<16xf32>
          %reduce_and3A_211 = arith.constant true
          %reduce_and3A_212 = vector.broadcast %reduce_and3A_211 : i1 to vector<16xi1>
          %reduce_and3A_213 = tpu.scan <min>, %reduce_and3A_210 masked %reduce_and3A_212 : vector<16xf32>, vector<16xi1> -> vector<16xf32>
          %reduce_and3A_214 = vector.extract %reduce_and3A_213[15] : f32 from vector<16xf32>
          %reduce_and3A_215 = arith.constant 0.000000e+00 : f32
          %reduce_and3A_216 = arith.cmpf ogt, %reduce_and3A_214, %reduce_and3A_215 : f32
          %lt3A_217 = arith.constant 64 : i32
          %lt3A_218 = arith.cmpi slt, %while3A_203, %lt3A_217 : i32
          %and3A_219 = arith.andi %reduce_and3A_216, %lt3A_218 : i1
          scf.condition(%and3A_219) %while3A_202, %while3A_203 : vector<16xi32>, i32
        } do {
        ^bb0(%while3A_202: vector<16xi32>, %while3A_203: i32):
          %mul3A_204 = arith.constant 256 : i32
          %mul3A_205 = arith.muli %while3A_203, %mul3A_204 : i32
          %add3A_206 = arith.constant 0 : i32
          %add3A_207 = arith.addi %mul3A_205, %add3A_206 : i32
          %get3A_208 = arith.index_cast %add3A_207 : i32 to index
          %get3A_209 = tpu.vector_load %arg6[%get3A_208] {strides = array<i32>} : memref<49152xf32, #tpu.memory_space<vmem>>, vector<16xf32>,
          %add3A_210 = arith.constant 16384 : i32
          %add3A_211 = arith.addi %add3A_210, %add3A_207 : i32
          %get3A_212 = arith.index_cast %add3A_211 : i32 to index
          %get3A_213 = tpu.vector_load %arg6[%get3A_212] {strides = array<i32>} : memref<49152xf32, #tpu.memory_space<vmem>>, vector<16xf32>,
          %add3A_214 = arith.constant 32768 : i32
          %add3A_215 = arith.addi %add3A_214, %add3A_207 : i32
          %get3A_216 = arith.index_cast %add3A_215 : i32 to index
          %get3A_217 = tpu.vector_load %arg6[%get3A_216] {strides = array<i32>} : memref<49152xf32, #tpu.memory_space<vmem>>, vector<16xf32>,
          %sub3A_218 = arith.subf %gather3A, %get3A_209 : vector<16xf32>
          %sub3A_219 = arith.subf %gather3A_137, %get3A_213 : vector<16xf32>
          %sub3A_220 = arith.subf %gather3A_141, %get3A_217 : vector<16xf32>
          %mul3A_221 = arith.mulf %sub3A_218, %sub3A_218 : vector<16xf32>
          %mul3A_222 = arith.mulf %sub3A_219, %sub3A_219 : vector<16xf32>
          %add3A_223 = arith.addf %mul3A_221, %mul3A_222 : vector<16xf32>
          %mul3A_224 = arith.mulf %sub3A_220, %sub3A_220 : vector<16xf32>
          %add3A_225 = arith.addf %add3A_223, %mul3A_224 : vector<16xf32>
          %lt3A_226 = vector.broadcast %scan3A : f32 to vector<16xf32>
          %lt3A_227 = arith.cmpf olt, %add3A_225, %lt3A_226 : vector<16xf32>
          %convert_element_type3A_228 = arith.extui %lt3A_227 : vector<16xi1> to vector<16xi32>
          %broadcast_in_dim3A_229 = arith.constant true
          %broadcast_in_dim3A_230 = vector.broadcast %broadcast_in_dim3A_229 : i1 to vector<16xi1>
          %masked_cumsum3A = tpu.scan <sum>, %convert_element_type3A_228 masked %broadcast_in_dim3A_230 : vector<16xi32>, vector<16xi1> -> vector<16xi32>
          %add3A_231 = arith.addi %masked_cumsum3A, %while3A_202 : vector<16xi32>
          %add3A_232 = vector.broadcast %add3A_207 : i32 to vector<16xi32>
          %add3A_233 = arith.addi %add3A_232, %iota3A : vector<16xi32>
          tpu.vector_store_idx %arg8[%add3A_231], %add3A_233 masked %lt3A_227 : memref<336xi32, #tpu.memory_space<vmem>>[vector<16xi32>], vector<16xi32>, vector<16xi1>
          %all_reduce_population_count3A = tpu.all_reduce %lt3A_227 {dim = 0 : i64, kind = #tpu.reduction_kind<sum>} : vector<16xi1> -> vector<16xi32>
          %add3A_234 = arith.addi %while3A_202, %all_reduce_population_count3A : vector<16xi32>
          %add3A_235 = arith.constant 16 : i32
          %add3A_236 = arith.addi %mul3A_205, %add3A_235 : i32
          %get3A_237 = arith.index_cast %add3A_236 : i32 to index
          %get3A_238 = tpu.vector_load %arg6[%get3A_237] {strides = array<i32>} : memref<49152xf32, #tpu.memory_space<vmem>>, vector<16xf32>,
          %add3A_239 = arith.constant 16384 : i32
          %add3A_240 = arith.addi %add3A_239, %add3A_236 : i32
          %get3A_241 = arith.index_cast %add3A_240 : i32 to index
          %get3A_242 = tpu.vector_load %arg6[%get3A_241] {strides = array<i32>} : memref<49152xf32, #tpu.memory_space<vmem>>, vector<16xf32>,
          %add3A_243 = arith.constant 32768 : i32
          %add3A_244 = arith.addi %add3A_243, %add3A_236 : i32
          %get3A_245 = arith.index_cast %add3A_244 : i32 to index
          %get3A_246 = tpu.vector_load %arg6[%get3A_245] {strides = array<i32>} : memref<49152xf32, #tpu.memory_space<vmem>>, vector<16xf32>,
          %sub3A_247 = arith.subf %gather3A, %get3A_238 : vector<16xf32>
          %sub3A_248 = arith.subf %gather3A_137, %get3A_242 : vector<16xf32>
          %sub3A_249 = arith.subf %gather3A_141, %get3A_246 : vector<16xf32>
          %mul3A_250 = arith.mulf %sub3A_247, %sub3A_247 : vector<16xf32>
          %mul3A_251 = arith.mulf %sub3A_248, %sub3A_248 : vector<16xf32>
          %add3A_252 = arith.addf %mul3A_250, %mul3A_251 : vector<16xf32>
          %mul3A_253 = arith.mulf %sub3A_249, %sub3A_249 : vector<16xf32>
          %add3A_254 = arith.addf %add3A_252, %mul3A_253 : vector<16xf32>
          %lt3A_255 = vector.broadcast %scan3A : f32 to vector<16xf32>
          %lt3A_256 = arith.cmpf olt, %add3A_254, %lt3A_255 : vector<16xf32>
          %convert_element_type3A_257 = arith.extui %lt3A_256 : vector<16xi1> to vector<16xi32>
          %broadcast_in_dim3A_258 = arith.constant true
          %broadcast_in_dim3A_259 = vector.broadcast %broadcast_in_dim3A_258 : i1 to vector<16xi1>
          %masked_cumsum3A_260 = tpu.scan <sum>, %convert_element_type3A_257 masked %broadcast_in_dim3A_259 : vector<16xi32>, vector<16xi1> -> vector<16xi32>
          %add3A_261 = arith.addi %masked_cumsum3A_260, %add3A_234 : vector<16xi32>
          %add3A_262 = vector.broadcast %add3A_236 : i32 to vector<16xi32>
          %add3A_263 = arith.addi %add3A_262, %iota3A : vector<16xi32>
          tpu.vector_store_idx %arg8[%add3A_261], %add3A_263 masked %lt3A_256 : memref<336xi32, #tpu.memory_space<vmem>>[vector<16xi32>], vector<16xi32>, vector<16xi1>
          %all_reduce_population_count3A_264 = tpu.all_reduce %lt3A_256 {dim = 0 : i64, kind = #tpu.reduction_kind<sum>} : vector<16xi1> -> vector<16xi32>
          %add3A_265 = arith.addi %add3A_234, %all_reduce_population_count3A_264 : vector<16xi32>
          %add3A_266 = arith.constant 32 : i32
          %add3A_267 = arith.addi %mul3A_205, %add3A_266 : i32
          %get3A_268 = arith.index_cast %add3A_267 : i32 to index
          %get3A_269 = tpu.vector_load %arg6[%get3A_268] {strides = array<i32>} : memref<49152xf32, #tpu.memory_space<vmem>>, vector<16xf32>,
          %add3A_270 = arith.constant 16384 : i32
          %add3A_271 = arith.addi %add3A_270, %add3A_267 : i32
          %get3A_272 = arith.index_cast %add3A_271 : i32 to index
          %get3A_273 = tpu.vector_load %arg6[%get3A_272] {strides = array<i32>} : memref<49152xf32, #tpu.memory_space<vmem>>, vector<16xf32>,
          %add3A_274 = arith.constant 32768 : i32
          %add3A_275 = arith.addi %add3A_274, %add3A_267 : i32
          %get3A_276 = arith.index_cast %add3A_275 : i32 to index
          %get3A_277 = tpu.vector_load %arg6[%get3A_276] {strides = array<i32>} : memref<49152xf32, #tpu.memory_space<vmem>>, vector<16xf32>,
          %sub3A_278 = arith.subf %gather3A, %get3A_269 : vector<16xf32>
          %sub3A_279 = arith.subf %gather3A_137, %get3A_273 : vector<16xf32>
          %sub3A_280 = arith.subf %gather3A_141, %get3A_277 : vector<16xf32>
          %mul3A_281 = arith.mulf %sub3A_278, %sub3A_278 : vector<16xf32>
          %mul3A_282 = arith.mulf %sub3A_279, %sub3A_279 : vector<16xf32>
          %add3A_283 = arith.addf %mul3A_281, %mul3A_282 : vector<16xf32>
          %mul3A_284 = arith.mulf %sub3A_280, %sub3A_280 : vector<16xf32>
          %add3A_285 = arith.addf %add3A_283, %mul3A_284 : vector<16xf32>
          %lt3A_286 = vector.broadcast %scan3A : f32 to vector<16xf32>
          %lt3A_287 = arith.cmpf olt, %add3A_285, %lt3A_286 : vector<16xf32>
          %convert_element_type3A_288 = arith.extui %lt3A_287 : vector<16xi1> to vector<16xi32>
          %broadcast_in_dim3A_289 = arith.constant true
          %broadcast_in_dim3A_290 = vector.broadcast %broadcast_in_dim3A_289 : i1 to vector<16xi1>
          %masked_cumsum3A_291 = tpu.scan <sum>, %convert_element_type3A_288 masked %broadcast_in_dim3A_290 : vector<16xi32>, vector<16xi1> -> vector<16xi32>
          %add3A_292 = arith.addi %masked_cumsum3A_291, %add3A_265 : vector<16xi32>
          %add3A_293 = vector.broadcast %add3A_267 : i32 to vector<16xi32>
          %add3A_294 = arith.addi %add3A_293, %iota3A : vector<16xi32>
          tpu.vector_store_idx %arg8[%add3A_292], %add3A_294 masked %lt3A_287 : memref<336xi32, #tpu.memory_space<vmem>>[vector<16xi32>], vector<16xi32>, vector<16xi1>
          %all_reduce_population_count3A_295 = tpu.all_reduce %lt3A_287 {dim = 0 : i64, kind = #tpu.reduction_kind<sum>} : vector<16xi1> -> vector<16xi32>
          %add3A_296 = arith.addi %add3A_265, %all_reduce_population_count3A_295 : vector<16xi32>
          %add3A_297 = arith.constant 48 : i32
          %add3A_298 = arith.addi %mul3A_205, %add3A_297 : i32
          %get3A_299 = arith.index_cast %add3A_298 : i32 to index
          %get3A_300 = tpu.vector_load %arg6[%get3A_299] {strides = array<i32>} : memref<49152xf32, #tpu.memory_space<vmem>>, vector<16xf32>,
          %add3A_301 = arith.constant 16384 : i32
          %add3A_302 = arith.addi %add3A_301, %add3A_298 : i32
          %get3A_303 = arith.index_cast %add3A_302 : i32 to index
          %get3A_304 = tpu.vector_load %arg6[%get3A_303] {strides = array<i32>} : memref<49152xf32, #tpu.memory_space<vmem>>, vector<16xf32>,
          %add3A_305 = arith.constant 32768 : i32
          %add3A_306 = arith.addi %add3A_305, %add3A_298 : i32
          %get3A_307 = arith.index_cast %add3A_306 : i32 to index
          %get3A_308 = tpu.vector_load %arg6[%get3A_307] {strides = array<i32>} : memref<49152xf32, #tpu.memory_space<vmem>>, vector<16xf32>,
          %sub3A_309 = arith.subf %gather3A, %get3A_300 : vector<16xf32>
          %sub3A_310 = arith.subf %gather3A_137, %get3A_304 : vector<16xf32>
          %sub3A_311 = arith.subf %gather3A_141, %get3A_308 : vector<16xf32>
          %mul3A_312 = arith.mulf %sub3A_309, %sub3A_309 : vector<16xf32>
          %mul3A_313 = arith.mulf %sub3A_310, %sub3A_310 : vector<16xf32>
          %add3A_314 = arith.addf %mul3A_312, %mul3A_313 : vector<16xf32>
          %mul3A_315 = arith.mulf %sub3A_311, %sub3A_311 : vector<16xf32>
          %add3A_316 = arith.addf %add3A_314, %mul3A_315 : vector<16xf32>
          %lt3A_317 = vector.broadcast %scan3A : f32 to vector<16xf32>
          %lt3A_318 = arith.cmpf olt, %add3A_316, %lt3A_317 : vector<16xf32>
          %convert_element_type3A_319 = arith.extui %lt3A_318 : vector<16xi1> to vector<16xi32>
          %broadcast_in_dim3A_320 = arith.constant true
          %broadcast_in_dim3A_321 = vector.broadcast %broadcast_in_dim3A_320 : i1 to vector<16xi1>
          %masked_cumsum3A_322 = tpu.scan <sum>, %convert_element_type3A_319 masked %broadcast_in_dim3A_321 : vector<16xi32>, vector<16xi1> -> vector<16xi32>
          %add3A_323 = arith.addi %masked_cumsum3A_322, %add3A_296 : vector<16xi32>
          %add3A_324 = vector.broadcast %add3A_298 : i32 to vector<16xi32>
          %add3A_325 = arith.addi %add3A_324, %iota3A : vector<16xi32>
          tpu.vector_store_idx %arg8[%add3A_323], %add3A_325 masked %lt3A_318 : memref<336xi32, #tpu.memory_space<vmem>>[vector<16xi32>], vector<16xi32>, vector<16xi1>
          %all_reduce_population_count3A_326 = tpu.all_reduce %lt3A_318 {dim = 0 : i64, kind = #tpu.reduction_kind<sum>} : vector<16xi1> -> vector<16xi32>
          %add3A_327 = arith.addi %add3A_296, %all_reduce_population_count3A_326 : vector<16xi32>
          %add3A_328 = arith.constant 64 : i32
          %add3A_329 = arith.addi %mul3A_205, %add3A_328 : i32
          %get3A_330 = arith.index_cast %add3A_329 : i32 to index
          %get3A_331 = tpu.vector_load %arg6[%get3A_330] {strides = array<i32>} : memref<49152xf32, #tpu.memory_space<vmem>>, vector<16xf32>,
          %add3A_332 = arith.constant 16384 : i32
          %add3A_333 = arith.addi %add3A_332, %add3A_329 : i32
          %get3A_334 = arith.index_cast %add3A_333 : i32 to index
          %get3A_335 = tpu.vector_load %arg6[%get3A_334] {strides = array<i32>} : memref<49152xf32, #tpu.memory_space<vmem>>, vector<16xf32>,
          %add3A_336 = arith.constant 32768 : i32
          %add3A_337 = arith.addi %add3A_336, %add3A_329 : i32
          %get3A_338 = arith.index_cast %add3A_337 : i32 to index
          %get3A_339 = tpu.vector_load %arg6[%get3A_338] {strides = array<i32>} : memref<49152xf32, #tpu.memory_space<vmem>>, vector<16xf32>,
          %sub3A_340 = arith.subf %gather3A, %get3A_331 : vector<16xf32>
          %sub3A_341 = arith.subf %gather3A_137, %get3A_335 : vector<16xf32>
          %sub3A_342 = arith.subf %gather3A_141, %get3A_339 : vector<16xf32>
          %mul3A_343 = arith.mulf %sub3A_340, %sub3A_340 : vector<16xf32>
          %mul3A_344 = arith.mulf %sub3A_341, %sub3A_341 : vector<16xf32>
          %add3A_345 = arith.addf %mul3A_343, %mul3A_344 : vector<16xf32>
          %mul3A_346 = arith.mulf %sub3A_342, %sub3A_342 : vector<16xf32>
          %add3A_347 = arith.addf %add3A_345, %mul3A_346 : vector<16xf32>
          %lt3A_348 = vector.broadcast %scan3A : f32 to vector<16xf32>
          %lt3A_349 = arith.cmpf olt, %add3A_347, %lt3A_348 : vector<16xf32>
          %convert_element_type3A_350 = arith.extui %lt3A_349 : vector<16xi1> to vector<16xi32>
          %broadcast_in_dim3A_351 = arith.constant true
          %broadcast_in_dim3A_352 = vector.broadcast %broadcast_in_dim3A_351 : i1 to vector<16xi1>
          %masked_cumsum3A_353 = tpu.scan <sum>, %convert_element_type3A_350 masked %broadcast_in_dim3A_352 : vector<16xi32>, vector<16xi1> -> vector<16xi32>
          %add3A_354 = arith.addi %masked_cumsum3A_353, %add3A_327 : vector<16xi32>
          %add3A_355 = vector.broadcast %add3A_329 : i32 to vector<16xi32>
          %add3A_356 = arith.addi %add3A_355, %iota3A : vector<16xi32>
          tpu.vector_store_idx %arg8[%add3A_354], %add3A_356 masked %lt3A_349 : memref<336xi32, #tpu.memory_space<vmem>>[vector<16xi32>], vector<16xi32>, vector<16xi1>
          %all_reduce_population_count3A_357 = tpu.all_reduce %lt3A_349 {dim = 0 : i64, kind = #tpu.reduction_kind<sum>} : vector<16xi1> -> vector<16xi32>
          %add3A_358 = arith.addi %add3A_327, %all_reduce_population_count3A_357 : vector<16xi32>
          %add3A_359 = arith.constant 80 : i32
          %add3A_360 = arith.addi %mul3A_205, %add3A_359 : i32
          %get3A_361 = arith.index_cast %add3A_360 : i32 to index
          %get3A_362 = tpu.vector_load %arg6[%get3A_361] {strides = array<i32>} : memref<49152xf32, #tpu.memory_space<vmem>>, vector<16xf32>,
          %add3A_363 = arith.constant 16384 : i32
          %add3A_364 = arith.addi %add3A_363, %add3A_360 : i32
          %get3A_365 = arith.index_cast %add3A_364 : i32 to index
          %get3A_366 = tpu.vector_load %arg6[%get3A_365] {strides = array<i32>} : memref<49152xf32, #tpu.memory_space<vmem>>, vector<16xf32>,
          %add3A_367 = arith.constant 32768 : i32
          %add3A_368 = arith.addi %add3A_367, %add3A_360 : i32
          %get3A_369 = arith.index_cast %add3A_368 : i32 to index
          %get3A_370 = tpu.vector_load %arg6[%get3A_369] {strides = array<i32>} : memref<49152xf32, #tpu.memory_space<vmem>>, vector<16xf32>,
          %sub3A_371 = arith.subf %gather3A, %get3A_362 : vector<16xf32>
          %sub3A_372 = arith.subf %gather3A_137, %get3A_366 : vector<16xf32>
          %sub3A_373 = arith.subf %gather3A_141, %get3A_370 : vector<16xf32>
          %mul3A_374 = arith.mulf %sub3A_371, %sub3A_371 : vector<16xf32>
          %mul3A_375 = arith.mulf %sub3A_372, %sub3A_372 : vector<16xf32>
          %add3A_376 = arith.addf %mul3A_374, %mul3A_375 : vector<16xf32>
          %mul3A_377 = arith.mulf %sub3A_373, %sub3A_373 : vector<16xf32>
          %add3A_378 = arith.addf %add3A_376, %mul3A_377 : vector<16xf32>
          %lt3A_379 = vector.broadcast %scan3A : f32 to vector<16xf32>
          %lt3A_380 = arith.cmpf olt, %add3A_378, %lt3A_379 : vector<16xf32>
          %convert_element_type3A_381 = arith.extui %lt3A_380 : vector<16xi1> to vector<16xi32>
          %broadcast_in_dim3A_382 = arith.constant true
          %broadcast_in_dim3A_383 = vector.broadcast %broadcast_in_dim3A_382 : i1 to vector<16xi1>
          %masked_cumsum3A_384 = tpu.scan <sum>, %convert_element_type3A_381 masked %broadcast_in_dim3A_383 : vector<16xi32>, vector<16xi1> -> vector<16xi32>
          %add3A_385 = arith.addi %masked_cumsum3A_384, %add3A_358 : vector<16xi32>
          %add3A_386 = vector.broadcast %add3A_360 : i32 to vector<16xi32>
          %add3A_387 = arith.addi %add3A_386, %iota3A : vector<16xi32>
          tpu.vector_store_idx %arg8[%add3A_385], %add3A_387 masked %lt3A_380 : memref<336xi32, #tpu.memory_space<vmem>>[vector<16xi32>], vector<16xi32>, vector<16xi1>
          %all_reduce_population_count3A_388 = tpu.all_reduce %lt3A_380 {dim = 0 : i64, kind = #tpu.reduction_kind<sum>} : vector<16xi1> -> vector<16xi32>
          %add3A_389 = arith.addi %add3A_358, %all_reduce_population_count3A_388 : vector<16xi32>
          %add3A_390 = arith.constant 96 : i32
          %add3A_391 = arith.addi %mul3A_205, %add3A_390 : i32
          %get3A_392 = arith.index_cast %add3A_391 : i32 to index
          %get3A_393 = tpu.vector_load %arg6[%get3A_392] {strides = array<i32>} : memref<49152xf32, #tpu.memory_space<vmem>>, vector<16xf32>,
          %add3A_394 = arith.constant 16384 : i32
          %add3A_395 = arith.addi %add3A_394, %add3A_391 : i32
          %get3A_396 = arith.index_cast %add3A_395 : i32 to index
          %get3A_397 = tpu.vector_load %arg6[%get3A_396] {strides = array<i32>} : memref<49152xf32, #tpu.memory_space<vmem>>, vector<16xf32>,
          %add3A_398 = arith.constant 32768 : i32
          %add3A_399 = arith.addi %add3A_398, %add3A_391 : i32
          %get3A_400 = arith.index_cast %add3A_399 : i32 to index
          %get3A_401 = tpu.vector_load %arg6[%get3A_400] {strides = array<i32>} : memref<49152xf32, #tpu.memory_space<vmem>>, vector<16xf32>,
          %sub3A_402 = arith.subf %gather3A, %get3A_393 : vector<16xf32>
          %sub3A_403 = arith.subf %gather3A_137, %get3A_397 : vector<16xf32>
          %sub3A_404 = arith.subf %gather3A_141, %get3A_401 : vector<16xf32>
          %mul3A_405 = arith.mulf %sub3A_402, %sub3A_402 : vector<16xf32>
          %mul3A_406 = arith.mulf %sub3A_403, %sub3A_403 : vector<16xf32>
          %add3A_407 = arith.addf %mul3A_405, %mul3A_406 : vector<16xf32>
          %mul3A_408 = arith.mulf %sub3A_404, %sub3A_404 : vector<16xf32>
          %add3A_409 = arith.addf %add3A_407, %mul3A_408 : vector<16xf32>
          %lt3A_410 = vector.broadcast %scan3A : f32 to vector<16xf32>
          %lt3A_411 = arith.cmpf olt, %add3A_409, %lt3A_410 : vector<16xf32>
          %convert_element_type3A_412 = arith.extui %lt3A_411 : vector<16xi1> to vector<16xi32>
          %broadcast_in_dim3A_413 = arith.constant true
          %broadcast_in_dim3A_414 = vector.broadcast %broadcast_in_dim3A_413 : i1 to vector<16xi1>
          %masked_cumsum3A_415 = tpu.scan <sum>, %convert_element_type3A_412 masked %broadcast_in_dim3A_414 : vector<16xi32>, vector<16xi1> -> vector<16xi32>
          %add3A_416 = arith.addi %masked_cumsum3A_415, %add3A_389 : vector<16xi32>
          %add3A_417 = vector.broadcast %add3A_391 : i32 to vector<16xi32>
          %add3A_418 = arith.addi %add3A_417, %iota3A : vector<16xi32>
          tpu.vector_store_idx %arg8[%add3A_416], %add3A_418 masked %lt3A_411 : memref<336xi32, #tpu.memory_space<vmem>>[vector<16xi32>], vector<16xi32>, vector<16xi1>
          %all_reduce_population_count3A_419 = tpu.all_reduce %lt3A_411 {dim = 0 : i64, kind = #tpu.reduction_kind<sum>} : vector<16xi1> -> vector<16xi32>
          %add3A_420 = arith.addi %add3A_389, %all_reduce_population_count3A_419 : vector<16xi32>
          %add3A_421 = arith.constant 112 : i32
          %add3A_422 = arith.addi %mul3A_205, %add3A_421 : i32
          %get3A_423 = arith.index_cast %add3A_422 : i32 to index
          %get3A_424 = tpu.vector_load %arg6[%get3A_423] {strides = array<i32>} : memref<49152xf32, #tpu.memory_space<vmem>>, vector<16xf32>,
          %add3A_425 = arith.constant 16384 : i32
          %add3A_426 = arith.addi %add3A_425, %add3A_422 : i32
          %get3A_427 = arith.index_cast %add3A_426 : i32 to index
          %get3A_428 = tpu.vector_load %arg6[%get3A_427] {strides = array<i32>} : memref<49152xf32, #tpu.memory_space<vmem>>, vector<16xf32>,
          %add3A_429 = arith.constant 32768 : i32
          %add3A_430 = arith.addi %add3A_429, %add3A_422 : i32
          %get3A_431 = arith.index_cast %add3A_430 : i32 to index
          %get3A_432 = tpu.vector_load %arg6[%get3A_431] {strides = array<i32>} : memref<49152xf32, #tpu.memory_space<vmem>>, vector<16xf32>,
          %sub3A_433 = arith.subf %gather3A, %get3A_424 : vector<16xf32>
          %sub3A_434 = arith.subf %gather3A_137, %get3A_428 : vector<16xf32>
          %sub3A_435 = arith.subf %gather3A_141, %get3A_432 : vector<16xf32>
          %mul3A_436 = arith.mulf %sub3A_433, %sub3A_433 : vector<16xf32>
          %mul3A_437 = arith.mulf %sub3A_434, %sub3A_434 : vector<16xf32>
          %add3A_438 = arith.addf %mul3A_436, %mul3A_437 : vector<16xf32>
          %mul3A_439 = arith.mulf %sub3A_435, %sub3A_435 : vector<16xf32>
          %add3A_440 = arith.addf %add3A_438, %mul3A_439 : vector<16xf32>
          %lt3A_441 = vector.broadcast %scan3A : f32 to vector<16xf32>
          %lt3A_442 = arith.cmpf olt, %add3A_440, %lt3A_441 : vector<16xf32>
          %convert_element_type3A_443 = arith.extui %lt3A_442 : vector<16xi1> to vector<16xi32>
          %broadcast_in_dim3A_444 = arith.constant true
          %broadcast_in_dim3A_445 = vector.broadcast %broadcast_in_dim3A_444 : i1 to vector<16xi1>
          %masked_cumsum3A_446 = tpu.scan <sum>, %convert_element_type3A_443 masked %broadcast_in_dim3A_445 : vector<16xi32>, vector<16xi1> -> vector<16xi32>
          %add3A_447 = arith.addi %masked_cumsum3A_446, %add3A_420 : vector<16xi32>
          %add3A_448 = vector.broadcast %add3A_422 : i32 to vector<16xi32>
          %add3A_449 = arith.addi %add3A_448, %iota3A : vector<16xi32>
          tpu.vector_store_idx %arg8[%add3A_447], %add3A_449 masked %lt3A_442 : memref<336xi32, #tpu.memory_space<vmem>>[vector<16xi32>], vector<16xi32>, vector<16xi1>
          %all_reduce_population_count3A_450 = tpu.all_reduce %lt3A_442 {dim = 0 : i64, kind = #tpu.reduction_kind<sum>} : vector<16xi1> -> vector<16xi32>
          %add3A_451 = arith.addi %add3A_420, %all_reduce_population_count3A_450 : vector<16xi32>
          %add3A_452 = arith.constant 128 : i32
          %add3A_453 = arith.addi %mul3A_205, %add3A_452 : i32
          %get3A_454 = arith.index_cast %add3A_453 : i32 to index
          %get3A_455 = tpu.vector_load %arg6[%get3A_454] {strides = array<i32>} : memref<49152xf32, #tpu.memory_space<vmem>>, vector<16xf32>,
          %add3A_456 = arith.constant 16384 : i32
          %add3A_457 = arith.addi %add3A_456, %add3A_453 : i32
          %get3A_458 = arith.index_cast %add3A_457 : i32 to index
          %get3A_459 = tpu.vector_load %arg6[%get3A_458] {strides = array<i32>} : memref<49152xf32, #tpu.memory_space<vmem>>, vector<16xf32>,
          %add3A_460 = arith.constant 32768 : i32
          %add3A_461 = arith.addi %add3A_460, %add3A_453 : i32
          %get3A_462 = arith.index_cast %add3A_461 : i32 to index
          %get3A_463 = tpu.vector_load %arg6[%get3A_462] {strides = array<i32>} : memref<49152xf32, #tpu.memory_space<vmem>>, vector<16xf32>,
          %sub3A_464 = arith.subf %gather3A, %get3A_455 : vector<16xf32>
          %sub3A_465 = arith.subf %gather3A_137, %get3A_459 : vector<16xf32>
          %sub3A_466 = arith.subf %gather3A_141, %get3A_463 : vector<16xf32>
          %mul3A_467 = arith.mulf %sub3A_464, %sub3A_464 : vector<16xf32>
          %mul3A_468 = arith.mulf %sub3A_465, %sub3A_465 : vector<16xf32>
          %add3A_469 = arith.addf %mul3A_467, %mul3A_468 : vector<16xf32>
          %mul3A_470 = arith.mulf %sub3A_466, %sub3A_466 : vector<16xf32>
          %add3A_471 = arith.addf %add3A_469, %mul3A_470 : vector<16xf32>
          %lt3A_472 = vector.broadcast %scan3A : f32 to vector<16xf32>
          %lt3A_473 = arith.cmpf olt, %add3A_471, %lt3A_472 : vector<16xf32>
          %convert_element_type3A_474 = arith.extui %lt3A_473 : vector<16xi1> to vector<16xi32>
          %broadcast_in_dim3A_475 = arith.constant true
          %broadcast_in_dim3A_476 = vector.broadcast %broadcast_in_dim3A_475 : i1 to vector<16xi1>
          %masked_cumsum3A_477 = tpu.scan <sum>, %convert_element_type3A_474 masked %broadcast_in_dim3A_476 : vector<16xi32>, vector<16xi1> -> vector<16xi32>
          %add3A_478 = arith.addi %masked_cumsum3A_477, %add3A_451 : vector<16xi32>
          %add3A_479 = vector.broadcast %add3A_453 : i32 to vector<16xi32>
          %add3A_480 = arith.addi %add3A_479, %iota3A : vector<16xi32>
          tpu.vector_store_idx %arg8[%add3A_478], %add3A_480 masked %lt3A_473 : memref<336xi32, #tpu.memory_space<vmem>>[vector<16xi32>], vector<16xi32>, vector<16xi1>
          %all_reduce_population_count3A_481 = tpu.all_reduce %lt3A_473 {dim = 0 : i64, kind = #tpu.reduction_kind<sum>} : vector<16xi1> -> vector<16xi32>
          %add3A_482 = arith.addi %add3A_451, %all_reduce_population_count3A_481 : vector<16xi32>
          %add3A_483 = arith.constant 144 : i32
          %add3A_484 = arith.addi %mul3A_205, %add3A_483 : i32
          %get3A_485 = arith.index_cast %add3A_484 : i32 to index
          %get3A_486 = tpu.vector_load %arg6[%get3A_485] {strides = array<i32>} : memref<49152xf32, #tpu.memory_space<vmem>>, vector<16xf32>,
          %add3A_487 = arith.constant 16384 : i32
          %add3A_488 = arith.addi %add3A_487, %add3A_484 : i32
          %get3A_489 = arith.index_cast %add3A_488 : i32 to index
          %get3A_490 = tpu.vector_load %arg6[%get3A_489] {strides = array<i32>} : memref<49152xf32, #tpu.memory_space<vmem>>, vector<16xf32>,
          %add3A_491 = arith.constant 32768 : i32
          %add3A_492 = arith.addi %add3A_491, %add3A_484 : i32
          %get3A_493 = arith.index_cast %add3A_492 : i32 to index
          %get3A_494 = tpu.vector_load %arg6[%get3A_493] {strides = array<i32>} : memref<49152xf32, #tpu.memory_space<vmem>>, vector<16xf32>,
          %sub3A_495 = arith.subf %gather3A, %get3A_486 : vector<16xf32>
          %sub3A_496 = arith.subf %gather3A_137, %get3A_490 : vector<16xf32>
          %sub3A_497 = arith.subf %gather3A_141, %get3A_494 : vector<16xf32>
          %mul3A_498 = arith.mulf %sub3A_495, %sub3A_495 : vector<16xf32>
          %mul3A_499 = arith.mulf %sub3A_496, %sub3A_496 : vector<16xf32>
          %add3A_500 = arith.addf %mul3A_498, %mul3A_499 : vector<16xf32>
          %mul3A_501 = arith.mulf %sub3A_497, %sub3A_497 : vector<16xf32>
          %add3A_502 = arith.addf %add3A_500, %mul3A_501 : vector<16xf32>
          %lt3A_503 = vector.broadcast %scan3A : f32 to vector<16xf32>
          %lt3A_504 = arith.cmpf olt, %add3A_502, %lt3A_503 : vector<16xf32>
          %convert_element_type3A_505 = arith.extui %lt3A_504 : vector<16xi1> to vector<16xi32>
          %broadcast_in_dim3A_506 = arith.constant true
          %broadcast_in_dim3A_507 = vector.broadcast %broadcast_in_dim3A_506 : i1 to vector<16xi1>
          %masked_cumsum3A_508 = tpu.scan <sum>, %convert_element_type3A_505 masked %broadcast_in_dim3A_507 : vector<16xi32>, vector<16xi1> -> vector<16xi32>
          %add3A_509 = arith.addi %masked_cumsum3A_508, %add3A_482 : vector<16xi32>
          %add3A_510 = vector.broadcast %add3A_484 : i32 to vector<16xi32>
          %add3A_511 = arith.addi %add3A_510, %iota3A : vector<16xi32>
          tpu.vector_store_idx %arg8[%add3A_509], %add3A_511 masked %lt3A_504 : memref<336xi32, #tpu.memory_space<vmem>>[vector<16xi32>], vector<16xi32>, vector<16xi1>
          %all_reduce_population_count3A_512 = tpu.all_reduce %lt3A_504 {dim = 0 : i64, kind = #tpu.reduction_kind<sum>} : vector<16xi1> -> vector<16xi32>
          %add3A_513 = arith.addi %add3A_482, %all_reduce_population_count3A_512 : vector<16xi32>
          %add3A_514 = arith.constant 160 : i32
          %add3A_515 = arith.addi %mul3A_205, %add3A_514 : i32
          %get3A_516 = arith.index_cast %add3A_515 : i32 to index
          %get3A_517 = tpu.vector_load %arg6[%get3A_516] {strides = array<i32>} : memref<49152xf32, #tpu.memory_space<vmem>>, vector<16xf32>,
          %add3A_518 = arith.constant 16384 : i32
          %add3A_519 = arith.addi %add3A_518, %add3A_515 : i32
          %get3A_520 = arith.index_cast %add3A_519 : i32 to index
          %get3A_521 = tpu.vector_load %arg6[%get3A_520] {strides = array<i32>} : memref<49152xf32, #tpu.memory_space<vmem>>, vector<16xf32>,
          %add3A_522 = arith.constant 32768 : i32
          %add3A_523 = arith.addi %add3A_522, %add3A_515 : i32
          %get3A_524 = arith.index_cast %add3A_523 : i32 to index
          %get3A_525 = tpu.vector_load %arg6[%get3A_524] {strides = array<i32>} : memref<49152xf32, #tpu.memory_space<vmem>>, vector<16xf32>,
          %sub3A_526 = arith.subf %gather3A, %get3A_517 : vector<16xf32>
          %sub3A_527 = arith.subf %gather3A_137, %get3A_521 : vector<16xf32>
          %sub3A_528 = arith.subf %gather3A_141, %get3A_525 : vector<16xf32>
          %mul3A_529 = arith.mulf %sub3A_526, %sub3A_526 : vector<16xf32>
          %mul3A_530 = arith.mulf %sub3A_527, %sub3A_527 : vector<16xf32>
          %add3A_531 = arith.addf %mul3A_529, %mul3A_530 : vector<16xf32>
          %mul3A_532 = arith.mulf %sub3A_528, %sub3A_528 : vector<16xf32>
          %add3A_533 = arith.addf %add3A_531, %mul3A_532 : vector<16xf32>
          %lt3A_534 = vector.broadcast %scan3A : f32 to vector<16xf32>
          %lt3A_535 = arith.cmpf olt, %add3A_533, %lt3A_534 : vector<16xf32>
          %convert_element_type3A_536 = arith.extui %lt3A_535 : vector<16xi1> to vector<16xi32>
          %broadcast_in_dim3A_537 = arith.constant true
          %broadcast_in_dim3A_538 = vector.broadcast %broadcast_in_dim3A_537 : i1 to vector<16xi1>
          %masked_cumsum3A_539 = tpu.scan <sum>, %convert_element_type3A_536 masked %broadcast_in_dim3A_538 : vector<16xi32>, vector<16xi1> -> vector<16xi32>
          %add3A_540 = arith.addi %masked_cumsum3A_539, %add3A_513 : vector<16xi32>
          %add3A_541 = vector.broadcast %add3A_515 : i32 to vector<16xi32>
          %add3A_542 = arith.addi %add3A_541, %iota3A : vector<16xi32>
          tpu.vector_store_idx %arg8[%add3A_540], %add3A_542 masked %lt3A_535 : memref<336xi32, #tpu.memory_space<vmem>>[vector<16xi32>], vector<16xi32>, vector<16xi1>
          %all_reduce_population_count3A_543 = tpu.all_reduce %lt3A_535 {dim = 0 : i64, kind = #tpu.reduction_kind<sum>} : vector<16xi1> -> vector<16xi32>
          %add3A_544 = arith.addi %add3A_513, %all_reduce_population_count3A_543 : vector<16xi32>
          %add3A_545 = arith.constant 176 : i32
          %add3A_546 = arith.addi %mul3A_205, %add3A_545 : i32
          %get3A_547 = arith.index_cast %add3A_546 : i32 to index
          %get3A_548 = tpu.vector_load %arg6[%get3A_547] {strides = array<i32>} : memref<49152xf32, #tpu.memory_space<vmem>>, vector<16xf32>,
          %add3A_549 = arith.constant 16384 : i32
          %add3A_550 = arith.addi %add3A_549, %add3A_546 : i32
          %get3A_551 = arith.index_cast %add3A_550 : i32 to index
          %get3A_552 = tpu.vector_load %arg6[%get3A_551] {strides = array<i32>} : memref<49152xf32, #tpu.memory_space<vmem>>, vector<16xf32>,
          %add3A_553 = arith.constant 32768 : i32
          %add3A_554 = arith.addi %add3A_553, %add3A_546 : i32
          %get3A_555 = arith.index_cast %add3A_554 : i32 to index
          %get3A_556 = tpu.vector_load %arg6[%get3A_555] {strides = array<i32>} : memref<49152xf32, #tpu.memory_space<vmem>>, vector<16xf32>,
          %sub3A_557 = arith.subf %gather3A, %get3A_548 : vector<16xf32>
          %sub3A_558 = arith.subf %gather3A_137, %get3A_552 : vector<16xf32>
          %sub3A_559 = arith.subf %gather3A_141, %get3A_556 : vector<16xf32>
          %mul3A_560 = arith.mulf %sub3A_557, %sub3A_557 : vector<16xf32>
          %mul3A_561 = arith.mulf %sub3A_558, %sub3A_558 : vector<16xf32>
          %add3A_562 = arith.addf %mul3A_560, %mul3A_561 : vector<16xf32>
          %mul3A_563 = arith.mulf %sub3A_559, %sub3A_559 : vector<16xf32>
          %add3A_564 = arith.addf %add3A_562, %mul3A_563 : vector<16xf32>
          %lt3A_565 = vector.broadcast %scan3A : f32 to vector<16xf32>
          %lt3A_566 = arith.cmpf olt, %add3A_564, %lt3A_565 : vector<16xf32>
          %convert_element_type3A_567 = arith.extui %lt3A_566 : vector<16xi1> to vector<16xi32>
          %broadcast_in_dim3A_568 = arith.constant true
          %broadcast_in_dim3A_569 = vector.broadcast %broadcast_in_dim3A_568 : i1 to vector<16xi1>
          %masked_cumsum3A_570 = tpu.scan <sum>, %convert_element_type3A_567 masked %broadcast_in_dim3A_569 : vector<16xi32>, vector<16xi1> -> vector<16xi32>
          %add3A_571 = arith.addi %masked_cumsum3A_570, %add3A_544 : vector<16xi32>
          %add3A_572 = vector.broadcast %add3A_546 : i32 to vector<16xi32>
          %add3A_573 = arith.addi %add3A_572, %iota3A : vector<16xi32>
          tpu.vector_store_idx %arg8[%add3A_571], %add3A_573 masked %lt3A_566 : memref<336xi32, #tpu.memory_space<vmem>>[vector<16xi32>], vector<16xi32>, vector<16xi1>
          %all_reduce_population_count3A_574 = tpu.all_reduce %lt3A_566 {dim = 0 : i64, kind = #tpu.reduction_kind<sum>} : vector<16xi1> -> vector<16xi32>
          %add3A_575 = arith.addi %add3A_544, %all_reduce_population_count3A_574 : vector<16xi32>
          %add3A_576 = arith.constant 192 : i32
          %add3A_577 = arith.addi %mul3A_205, %add3A_576 : i32
          %get3A_578 = arith.index_cast %add3A_577 : i32 to index
          %get3A_579 = tpu.vector_load %arg6[%get3A_578] {strides = array<i32>} : memref<49152xf32, #tpu.memory_space<vmem>>, vector<16xf32>,
          %add3A_580 = arith.constant 16384 : i32
          %add3A_581 = arith.addi %add3A_580, %add3A_577 : i32
          %get3A_582 = arith.index_cast %add3A_581 : i32 to index
          %get3A_583 = tpu.vector_load %arg6[%get3A_582] {strides = array<i32>} : memref<49152xf32, #tpu.memory_space<vmem>>, vector<16xf32>,
          %add3A_584 = arith.constant 32768 : i32
          %add3A_585 = arith.addi %add3A_584, %add3A_577 : i32
          %get3A_586 = arith.index_cast %add3A_585 : i32 to index
          %get3A_587 = tpu.vector_load %arg6[%get3A_586] {strides = array<i32>} : memref<49152xf32, #tpu.memory_space<vmem>>, vector<16xf32>,
          %sub3A_588 = arith.subf %gather3A, %get3A_579 : vector<16xf32>
          %sub3A_589 = arith.subf %gather3A_137, %get3A_583 : vector<16xf32>
          %sub3A_590 = arith.subf %gather3A_141, %get3A_587 : vector<16xf32>
          %mul3A_591 = arith.mulf %sub3A_588, %sub3A_588 : vector<16xf32>
          %mul3A_592 = arith.mulf %sub3A_589, %sub3A_589 : vector<16xf32>
          %add3A_593 = arith.addf %mul3A_591, %mul3A_592 : vector<16xf32>
          %mul3A_594 = arith.mulf %sub3A_590, %sub3A_590 : vector<16xf32>
          %add3A_595 = arith.addf %add3A_593, %mul3A_594 : vector<16xf32>
          %lt3A_596 = vector.broadcast %scan3A : f32 to vector<16xf32>
          %lt3A_597 = arith.cmpf olt, %add3A_595, %lt3A_596 : vector<16xf32>
          %convert_element_type3A_598 = arith.extui %lt3A_597 : vector<16xi1> to vector<16xi32>
          %broadcast_in_dim3A_599 = arith.constant true
          %broadcast_in_dim3A_600 = vector.broadcast %broadcast_in_dim3A_599 : i1 to vector<16xi1>
          %masked_cumsum3A_601 = tpu.scan <sum>, %convert_element_type3A_598 masked %broadcast_in_dim3A_600 : vector<16xi32>, vector<16xi1> -> vector<16xi32>
          %add3A_602 = arith.addi %masked_cumsum3A_601, %add3A_575 : vector<16xi32>
          %add3A_603 = vector.broadcast %add3A_577 : i32 to vector<16xi32>
          %add3A_604 = arith.addi %add3A_603, %iota3A : vector<16xi32>
          tpu.vector_store_idx %arg8[%add3A_602], %add3A_604 masked %lt3A_597 : memref<336xi32, #tpu.memory_space<vmem>>[vector<16xi32>], vector<16xi32>, vector<16xi1>
          %all_reduce_population_count3A_605 = tpu.all_reduce %lt3A_597 {dim = 0 : i64, kind = #tpu.reduction_kind<sum>} : vector<16xi1> -> vector<16xi32>
          %add3A_606 = arith.addi %add3A_575, %all_reduce_population_count3A_605 : vector<16xi32>
          %add3A_607 = arith.constant 208 : i32
          %add3A_608 = arith.addi %mul3A_205, %add3A_607 : i32
          %get3A_609 = arith.index_cast %add3A_608 : i32 to index
          %get3A_610 = tpu.vector_load %arg6[%get3A_609] {strides = array<i32>} : memref<49152xf32, #tpu.memory_space<vmem>>, vector<16xf32>,
          %add3A_611 = arith.constant 16384 : i32
          %add3A_612 = arith.addi %add3A_611, %add3A_608 : i32
          %get3A_613 = arith.index_cast %add3A_612 : i32 to index
          %get3A_614 = tpu.vector_load %arg6[%get3A_613] {strides = array<i32>} : memref<49152xf32, #tpu.memory_space<vmem>>, vector<16xf32>,
          %add3A_615 = arith.constant 32768 : i32
          %add3A_616 = arith.addi %add3A_615, %add3A_608 : i32
          %get3A_617 = arith.index_cast %add3A_616 : i32 to index
          %get3A_618 = tpu.vector_load %arg6[%get3A_617] {strides = array<i32>} : memref<49152xf32, #tpu.memory_space<vmem>>, vector<16xf32>,
          %sub3A_619 = arith.subf %gather3A, %get3A_610 : vector<16xf32>
          %sub3A_620 = arith.subf %gather3A_137, %get3A_614 : vector<16xf32>
          %sub3A_621 = arith.subf %gather3A_141, %get3A_618 : vector<16xf32>
          %mul3A_622 = arith.mulf %sub3A_619, %sub3A_619 : vector<16xf32>
          %mul3A_623 = arith.mulf %sub3A_620, %sub3A_620 : vector<16xf32>
          %add3A_624 = arith.addf %mul3A_622, %mul3A_623 : vector<16xf32>
          %mul3A_625 = arith.mulf %sub3A_621, %sub3A_621 : vector<16xf32>
          %add3A_626 = arith.addf %add3A_624, %mul3A_625 : vector<16xf32>
          %lt3A_627 = vector.broadcast %scan3A : f32 to vector<16xf32>
          %lt3A_628 = arith.cmpf olt, %add3A_626, %lt3A_627 : vector<16xf32>
          %convert_element_type3A_629 = arith.extui %lt3A_628 : vector<16xi1> to vector<16xi32>
          %broadcast_in_dim3A_630 = arith.constant true
          %broadcast_in_dim3A_631 = vector.broadcast %broadcast_in_dim3A_630 : i1 to vector<16xi1>
          %masked_cumsum3A_632 = tpu.scan <sum>, %convert_element_type3A_629 masked %broadcast_in_dim3A_631 : vector<16xi32>, vector<16xi1> -> vector<16xi32>
          %add3A_633 = arith.addi %masked_cumsum3A_632, %add3A_606 : vector<16xi32>
          %add3A_634 = vector.broadcast %add3A_608 : i32 to vector<16xi32>
          %add3A_635 = arith.addi %add3A_634, %iota3A : vector<16xi32>
          tpu.vector_store_idx %arg8[%add3A_633], %add3A_635 masked %lt3A_628 : memref<336xi32, #tpu.memory_space<vmem>>[vector<16xi32>], vector<16xi32>, vector<16xi1>
          %all_reduce_population_count3A_636 = tpu.all_reduce %lt3A_628 {dim = 0 : i64, kind = #tpu.reduction_kind<sum>} : vector<16xi1> -> vector<16xi32>
          %add3A_637 = arith.addi %add3A_606, %all_reduce_population_count3A_636 : vector<16xi32>
          %add3A_638 = arith.constant 224 : i32
          %add3A_639 = arith.addi %mul3A_205, %add3A_638 : i32
          %get3A_640 = arith.index_cast %add3A_639 : i32 to index
          %get3A_641 = tpu.vector_load %arg6[%get3A_640] {strides = array<i32>} : memref<49152xf32, #tpu.memory_space<vmem>>, vector<16xf32>,
          %add3A_642 = arith.constant 16384 : i32
          %add3A_643 = arith.addi %add3A_642, %add3A_639 : i32
          %get3A_644 = arith.index_cast %add3A_643 : i32 to index
          %get3A_645 = tpu.vector_load %arg6[%get3A_644] {strides = array<i32>} : memref<49152xf32, #tpu.memory_space<vmem>>, vector<16xf32>,
          %add3A_646 = arith.constant 32768 : i32
          %add3A_647 = arith.addi %add3A_646, %add3A_639 : i32
          %get3A_648 = arith.index_cast %add3A_647 : i32 to index
          %get3A_649 = tpu.vector_load %arg6[%get3A_648] {strides = array<i32>} : memref<49152xf32, #tpu.memory_space<vmem>>, vector<16xf32>,
          %sub3A_650 = arith.subf %gather3A, %get3A_641 : vector<16xf32>
          %sub3A_651 = arith.subf %gather3A_137, %get3A_645 : vector<16xf32>
          %sub3A_652 = arith.subf %gather3A_141, %get3A_649 : vector<16xf32>
          %mul3A_653 = arith.mulf %sub3A_650, %sub3A_650 : vector<16xf32>
          %mul3A_654 = arith.mulf %sub3A_651, %sub3A_651 : vector<16xf32>
          %add3A_655 = arith.addf %mul3A_653, %mul3A_654 : vector<16xf32>
          %mul3A_656 = arith.mulf %sub3A_652, %sub3A_652 : vector<16xf32>
          %add3A_657 = arith.addf %add3A_655, %mul3A_656 : vector<16xf32>
          %lt3A_658 = vector.broadcast %scan3A : f32 to vector<16xf32>
          %lt3A_659 = arith.cmpf olt, %add3A_657, %lt3A_658 : vector<16xf32>
          %convert_element_type3A_660 = arith.extui %lt3A_659 : vector<16xi1> to vector<16xi32>
          %broadcast_in_dim3A_661 = arith.constant true
          %broadcast_in_dim3A_662 = vector.broadcast %broadcast_in_dim3A_661 : i1 to vector<16xi1>
          %masked_cumsum3A_663 = tpu.scan <sum>, %convert_element_type3A_660 masked %broadcast_in_dim3A_662 : vector<16xi32>, vector<16xi1> -> vector<16xi32>
          %add3A_664 = arith.addi %masked_cumsum3A_663, %add3A_637 : vector<16xi32>
          %add3A_665 = vector.broadcast %add3A_639 : i32 to vector<16xi32>
          %add3A_666 = arith.addi %add3A_665, %iota3A : vector<16xi32>
          tpu.vector_store_idx %arg8[%add3A_664], %add3A_666 masked %lt3A_659 : memref<336xi32, #tpu.memory_space<vmem>>[vector<16xi32>], vector<16xi32>, vector<16xi1>
          %all_reduce_population_count3A_667 = tpu.all_reduce %lt3A_659 {dim = 0 : i64, kind = #tpu.reduction_kind<sum>} : vector<16xi1> -> vector<16xi32>
          %add3A_668 = arith.addi %add3A_637, %all_reduce_population_count3A_667 : vector<16xi32>
          %add3A_669 = arith.constant 240 : i32
          %add3A_670 = arith.addi %mul3A_205, %add3A_669 : i32
          %get3A_671 = arith.index_cast %add3A_670 : i32 to index
          %get3A_672 = tpu.vector_load %arg6[%get3A_671] {strides = array<i32>} : memref<49152xf32, #tpu.memory_space<vmem>>, vector<16xf32>,
          %add3A_673 = arith.constant 16384 : i32
          %add3A_674 = arith.addi %add3A_673, %add3A_670 : i32
          %get3A_675 = arith.index_cast %add3A_674 : i32 to index
          %get3A_676 = tpu.vector_load %arg6[%get3A_675] {strides = array<i32>} : memref<49152xf32, #tpu.memory_space<vmem>>, vector<16xf32>,
          %add3A_677 = arith.constant 32768 : i32
          %add3A_678 = arith.addi %add3A_677, %add3A_670 : i32
          %get3A_679 = arith.index_cast %add3A_678 : i32 to index
          %get3A_680 = tpu.vector_load %arg6[%get3A_679] {strides = array<i32>} : memref<49152xf32, #tpu.memory_space<vmem>>, vector<16xf32>,
          %sub3A_681 = arith.subf %gather3A, %get3A_672 : vector<16xf32>
          %sub3A_682 = arith.subf %gather3A_137, %get3A_676 : vector<16xf32>
          %sub3A_683 = arith.subf %gather3A_141, %get3A_680 : vector<16xf32>
          %mul3A_684 = arith.mulf %sub3A_681, %sub3A_681 : vector<16xf32>
          %mul3A_685 = arith.mulf %sub3A_682, %sub3A_682 : vector<16xf32>
          %add3A_686 = arith.addf %mul3A_684, %mul3A_685 : vector<16xf32>
          %mul3A_687 = arith.mulf %sub3A_683, %sub3A_683 : vector<16xf32>
          %add3A_688 = arith.addf %add3A_686, %mul3A_687 : vector<16xf32>
          %lt3A_689 = vector.broadcast %scan3A : f32 to vector<16xf32>
          %lt3A_690 = arith.cmpf olt, %add3A_688, %lt3A_689 : vector<16xf32>
          %convert_element_type3A_691 = arith.extui %lt3A_690 : vector<16xi1> to vector<16xi32>
          %broadcast_in_dim3A_692 = arith.constant true
          %broadcast_in_dim3A_693 = vector.broadcast %broadcast_in_dim3A_692 : i1 to vector<16xi1>
          %masked_cumsum3A_694 = tpu.scan <sum>, %convert_element_type3A_691 masked %broadcast_in_dim3A_693 : vector<16xi32>, vector<16xi1> -> vector<16xi32>
          %add3A_695 = arith.addi %masked_cumsum3A_694, %add3A_668 : vector<16xi32>
          %add3A_696 = vector.broadcast %add3A_670 : i32 to vector<16xi32>
          %add3A_697 = arith.addi %add3A_696, %iota3A : vector<16xi32>
          tpu.vector_store_idx %arg8[%add3A_695], %add3A_697 masked %lt3A_690 : memref<336xi32, #tpu.memory_space<vmem>>[vector<16xi32>], vector<16xi32>, vector<16xi1>
          %all_reduce_population_count3A_698 = tpu.all_reduce %lt3A_690 {dim = 0 : i64, kind = #tpu.reduction_kind<sum>} : vector<16xi1> -> vector<16xi32>
          %add3A_699 = arith.addi %add3A_668, %all_reduce_population_count3A_698 : vector<16xi32>
          %add3A_700 = arith.constant 1 : i32
          %add3A_701 = arith.addi %while3A_203, %add3A_700 : i32
          scf.yield %add3A_699, %add3A_701 : vector<16xi32>, i32
        }
        %add3A_145 = arith.constant 1 : i32
        %add3A_146 = vector.broadcast %add3A_145 : i32 to vector<16xi32>
        %add3A_147 = arith.addi %while3A_144#0, %add3A_146 : vector<16xi32>
        %broadcast_in_dim3A_148 = arith.constant 0 : i32
        %broadcast_in_dim3A_149 = vector.broadcast %broadcast_in_dim3A_148 : i32 to vector<16xi32>
        %gather3A_150 = tpu.vector_load_idx %arg8[%broadcast_in_dim3A_149] : memref<336xi32, #tpu.memory_space<vmem>>[vector<16xi32>], vector<16xi32>,
        %gt3A = arith.constant 0 : i32
        %gt3A_151 = vector.broadcast %gt3A : i32 to vector<16xi32>
        %gt3A_152 = arith.cmpi sgt, %add3A_147, %gt3A_151 : vector<16xi32>
        %jit3A_153 = arith.constant 0 : i32
        %broadcast_in_dim3A_154 = vector.broadcast %jit3A_153 : i32 to vector<16xi32>
        %select_n3A_155 = arith.select %gt3A_152, %gather3A_150, %broadcast_in_dim3A_154 : vector<16xi1>, vector<16xi32>
        %broadcast_in_dim3A_156 = vector.broadcast %select_n3A_133 : i32 to vector<16xi32>
        %add3A_157 = arith.constant 0 : i32
        %add3A_158 = vector.broadcast %add3A_157 : i32 to vector<16xi32>
        %add3A_159 = arith.addi %add3A_158, %iota3A : vector<16xi32>
        %get3A = arith.constant 0 : index
        %get3A_160 = tpu.vector_load %arg8[%get3A] {strides = array<i32>} : memref<336xi32, #tpu.memory_space<vmem>>, vector<16xi32>,
        %lt3A_161 = arith.cmpi slt, %add3A_159, %add3A_147 : vector<16xi32>
        %select_n3A_162 = arith.select %lt3A_161, %get3A_160, %select_n3A_155 : vector<16xi1>, vector<16xi32>
        tpu.vector_store_idx %arg9[%broadcast_in_dim3A_156, %add3A_159], %select_n3A_162 : memref<2x64xi32, #tpu.memory_space<vmem>>[vector<16xi32>, vector<16xi32>], vector<16xi32>,
        %add3A_163 = vector.broadcast %mul3A_34 : i32 to vector<16xi32>
        %add3A_164 = arith.addi %select_n3A_162, %add3A_163 : vector<16xi32>
        tpu.vector_store_idx %arg10[%broadcast_in_dim3A_156, %add3A_159], %add3A_164 : memref<2x64xi32, #tpu.memory_space<vmem>>[vector<16xi32>, vector<16xi32>], vector<16xi32>,
        %add3A_165 = arith.constant 16 : i32
        %add3A_166 = vector.broadcast %add3A_165 : i32 to vector<16xi32>
        %add3A_167 = arith.addi %add3A_166, %iota3A : vector<16xi32>
        %get3A_168 = arith.constant 16 : index
        %get3A_169 = tpu.vector_load %arg8[%get3A_168] {strides = array<i32>} : memref<336xi32, #tpu.memory_space<vmem>>, vector<16xi32>,
        %lt3A_170 = arith.cmpi slt, %add3A_167, %add3A_147 : vector<16xi32>
        %select_n3A_171 = arith.select %lt3A_170, %get3A_169, %select_n3A_155 : vector<16xi1>, vector<16xi32>
        tpu.vector_store_idx %arg9[%broadcast_in_dim3A_156, %add3A_167], %select_n3A_171 : memref<2x64xi32, #tpu.memory_space<vmem>>[vector<16xi32>, vector<16xi32>], vector<16xi32>,
        %add3A_172 = vector.broadcast %mul3A_34 : i32 to vector<16xi32>
        %add3A_173 = arith.addi %select_n3A_171, %add3A_172 : vector<16xi32>
        tpu.vector_store_idx %arg10[%broadcast_in_dim3A_156, %add3A_167], %add3A_173 : memref<2x64xi32, #tpu.memory_space<vmem>>[vector<16xi32>, vector<16xi32>], vector<16xi32>,
        %add3A_174 = arith.constant 32 : i32
        %add3A_175 = vector.broadcast %add3A_174 : i32 to vector<16xi32>
        %add3A_176 = arith.addi %add3A_175, %iota3A : vector<16xi32>
        %get3A_177 = arith.constant 32 : index
        %get3A_178 = tpu.vector_load %arg8[%get3A_177] {strides = array<i32>} : memref<336xi32, #tpu.memory_space<vmem>>, vector<16xi32>,
        %lt3A_179 = arith.cmpi slt, %add3A_176, %add3A_147 : vector<16xi32>
        %select_n3A_180 = arith.select %lt3A_179, %get3A_178, %select_n3A_155 : vector<16xi1>, vector<16xi32>
        tpu.vector_store_idx %arg9[%broadcast_in_dim3A_156, %add3A_176], %select_n3A_180 : memref<2x64xi32, #tpu.memory_space<vmem>>[vector<16xi32>, vector<16xi32>], vector<16xi32>,
        %add3A_181 = vector.broadcast %mul3A_34 : i32 to vector<16xi32>
        %add3A_182 = arith.addi %select_n3A_180, %add3A_181 : vector<16xi32>
        tpu.vector_store_idx %arg10[%broadcast_in_dim3A_156, %add3A_176], %add3A_182 : memref<2x64xi32, #tpu.memory_space<vmem>>[vector<16xi32>, vector<16xi32>], vector<16xi32>,
        %add3A_183 = arith.constant 48 : i32
        %add3A_184 = vector.broadcast %add3A_183 : i32 to vector<16xi32>
        %add3A_185 = arith.addi %add3A_184, %iota3A : vector<16xi32>
        %get3A_186 = arith.constant 48 : index
        %get3A_187 = tpu.vector_load %arg8[%get3A_186] {strides = array<i32>} : memref<336xi32, #tpu.memory_space<vmem>>, vector<16xi32>,
        %lt3A_188 = arith.cmpi slt, %add3A_185, %add3A_147 : vector<16xi32>
        %select_n3A_189 = arith.select %lt3A_188, %get3A_187, %select_n3A_155 : vector<16xi1>, vector<16xi32>
        tpu.vector_store_idx %arg9[%broadcast_in_dim3A_156, %add3A_185], %select_n3A_189 : memref<2x64xi32, #tpu.memory_space<vmem>>[vector<16xi32>, vector<16xi32>], vector<16xi32>,
        %add3A_190 = vector.broadcast %mul3A_34 : i32 to vector<16xi32>
        %add3A_191 = arith.addi %select_n3A_189, %add3A_190 : vector<16xi32>
        tpu.vector_store_idx %arg10[%broadcast_in_dim3A_156, %add3A_185], %add3A_191 : memref<2x64xi32, #tpu.memory_space<vmem>>[vector<16xi32>, vector<16xi32>], vector<16xi32>,
        %mul3A_192 = arith.constant 64 : i32
        %mul3A_193 = arith.muli %select_n3A_133, %mul3A_192 : i32
        %dma_start3A_194 = arith.constant 0 : i32
        %dma_start3A_195 = tpu.memref_slice %arg11[%mul3A_193, %dma_start3A_194] : memref<128x128xf32, #tpu.memory_space<vmem>> -> memref<64x128xf32, #tpu.memory_space<vmem>>
        %dma_start3A_196 = arith.constant 0 : i32
        %dma_start3A_197 = tpu.memref_slice %arg10[%select_n3A_133, %dma_start3A_196] : memref<2x64xi32, #tpu.memory_space<vmem>> -> memref<1x64xi32, #tpu.memory_space<vmem>>
        %dma_start3A_198 = tpu.memref_squeeze %dma_start3A_197 : memref<1x64xi32, #tpu.memory_space<vmem>> -> memref<64xi32, #tpu.memory_space<vmem>>
        %dma_start3A_199 = arith.constant 0 : i32
        %dma_start3A_200 = arith.constant 0 : i32
        %dma_start3A_201 = tpu.memref_slice %arg4[%dma_start3A_199, %dma_start3A_200] : memref<65536x128xf32, #tpu.memory_space<hbm>> -> memref<65536x128xf32, #tpu.memory_space<hbm>>
        tpu.enqueue_indirect_dma source(%dma_start3A_201 : memref<65536x128xf32, #tpu.memory_space<hbm>>) target(%dma_start3A_195 : memref<64x128xf32, #tpu.memory_space<vmem>>) offsets(%dma_start3A_198 : memref<64xi32, #tpu.memory_space<vmem>>) semaphore(%arg13 : memref<!tpu.dma_semaphore, #tpu.memory_space<semaphore_mem>>)
      } else {
      }
      %scan3A_117 = arith.constant 0 : i32
      scf.yield %scan3A_117 : i32
    }
    %scan3A_76 = arith.constant 129 : i32
    %add3A_77 = arith.constant 0 : i32
    %add3A_78 = arith.addi %mul3A_32, %add3A_77 : i32
    %dma_wait3A = arith.constant 0 : i32
    %dma_wait3A_79 = arith.constant 0 : i32
    %dma_wait3A_80 = tpu.memref_slice %arg12[%dma_wait3A, %dma_wait3A_79] : memref<262x64xf32, #tpu.memory_space<vmem>> -> memref<64x64xf32, #tpu.memory_space<vmem>>
    %dma_wait3A_81 = arith.constant 0 : i32
    %dma_wait3A_82 = arith.constant 0 : i32
    %dma_wait3A_83 = tpu.memref_slice %arg5[%select_n3A, %dma_wait3A_81, %add3A_78, %dma_wait3A_82] : memref<4x131x1024x64xf32, #tpu.memory_space<hbm>> -> memref<1x64x1x64xf32, #tpu.memory_space<hbm>>
    %dma_wait3A_84 = tpu.memref_squeeze %dma_wait3A_83 : memref<1x64x1x64xf32, #tpu.memory_space<hbm>> -> memref<64x64xf32, #tpu.memory_space<hbm>>
    %dma_wait3A_85 = arith.constant 0 : i32
    %dma_wait3A_86 = arith.constant 0 : i32
    %dma_wait3A_87 = tpu.memref_slice %arg5[%select_n3A, %dma_wait3A_85, %add3A_78, %dma_wait3A_86] : memref<4x131x1024x64xf32, #tpu.memory_space<hbm>> -> memref<1x64x1x64xf32, #tpu.memory_space<hbm>>
    %dma_wait3A_88 = tpu.memref_squeeze %dma_wait3A_87 : memref<1x64x1x64xf32, #tpu.memory_space<hbm>> -> memref<64x64xf32, #tpu.memory_space<hbm>>
    %dma_wait3A_89 = arith.constant 0 : i32
    %dma_wait3A_90 = arith.constant 0 : i32
    %dma_wait3A_91 = tpu.memref_slice %arg12[%dma_wait3A_89, %dma_wait3A_90] : memref<262x64xf32, #tpu.memory_space<vmem>> -> memref<64x64xf32, #tpu.memory_space<vmem>>
    tpu.wait_dma2 semaphore(%arg14 : memref<!tpu.dma_semaphore, #tpu.memory_space<semaphore_mem>>) src(%dma_wait3A_91 : memref<64x64xf32, #tpu.memory_space<vmem>>) dst(%dma_wait3A_88 : memref<64x64xf32, #tpu.memory_space<hbm>>)
    %add3A_92 = arith.constant 0 : i32
    %add3A_93 = arith.addi %mul3A_32, %add3A_92 : i32
    %dma_wait3A_94 = arith.constant 131 : i32
    %dma_wait3A_95 = arith.constant 0 : i32
    %dma_wait3A_96 = tpu.memref_slice %arg12[%dma_wait3A_94, %dma_wait3A_95] : memref<262x64xf32, #tpu.memory_space<vmem>> -> memref<64x64xf32, #tpu.memory_space<vmem>>
    %dma_wait3A_97 = arith.constant 0 : i32
    %dma_wait3A_98 = arith.constant 0 : i32
    %dma_wait3A_99 = tpu.memref_slice %arg5[%select_n3A, %dma_wait3A_97, %add3A_93, %dma_wait3A_98] : memref<4x131x1024x64xf32, #tpu.memory_space<hbm>> -> memref<1x64x1x64xf32, #tpu.memory_space<hbm>>
    %dma_wait3A_100 = tpu.memref_squeeze %dma_wait3A_99 : memref<1x64x1x64xf32, #tpu.memory_space<hbm>> -> memref<64x64xf32, #tpu.memory_space<hbm>>
    %dma_wait3A_101 = arith.constant 0 : i32
    %dma_wait3A_102 = arith.constant 0 : i32
    %dma_wait3A_103 = tpu.memref_slice %arg5[%select_n3A, %dma_wait3A_101, %add3A_93, %dma_wait3A_102] : memref<4x131x1024x64xf32, #tpu.memory_space<hbm>> -> memref<1x64x1x64xf32, #tpu.memory_space<hbm>>
    %dma_wait3A_104 = tpu.memref_squeeze %dma_wait3A_103 : memref<1x64x1x64xf32, #tpu.memory_space<hbm>> -> memref<64x64xf32, #tpu.memory_space<hbm>>
    %dma_wait3A_105 = arith.constant 131 : i32
    %dma_wait3A_106 = arith.constant 0 : i32
    %dma_wait3A_107 = tpu.memref_slice %arg12[%dma_wait3A_105, %dma_wait3A_106] : memref<262x64xf32, #tpu.memory_space<vmem>> -> memref<64x64xf32, #tpu.memory_space<vmem>>
    tpu.wait_dma2 semaphore(%arg14 : memref<!tpu.dma_semaphore, #tpu.memory_space<semaphore_mem>>) src(%dma_wait3A_107 : memref<64x64xf32, #tpu.memory_space<vmem>>) dst(%dma_wait3A_104 : memref<64x64xf32, #tpu.memory_space<hbm>>)
    return
  }
}

</mosaic_0001>

<sc_bundles>
// kernel: _run.3.cloned.1.call-start
scs
__scs_entry_jumppad:
0x0: {  	(pc) =	sbr.rel $0x88, $3  }
0x1: {  	(tag) =	ssettag $0x0;
	lr =	simm.s32 $0x1  }
0x2: {  	[smem:$0x3F9E] =	sst lr;
	_ =	strace $0xD0000000  }
0x3: {  	_ = 	snop  }
0x4: {  	_ = 	snop  }
0x5: {  	_ = 	snop  }
0x6: {  	_ = 	snop  }
0x7: {  	_ = 	snop  }
__scs_overlays_trampoline_lowered:
0x8: {  	[smem:$0x3FAD] =	sst s0  }
0x9: {  	[smem:$0x3FAE] =	sst s1  }
0xa: {  	[smem:$0x3FAF] =	sst s2  }
0xb: {  	[smem:$0x3FB0] =	sst s3  }
0xc: {  	[smem:$0x3FB1] =	sst s4  }
0xd: {  	[smem:$0x3FB2] =	sst s5  }
0xe: {  	[smem:$0x3FB3] =	sst s6  }
0xf: {  	[smem:$0x3FB4] =	sst s7  }
0x10: {  	[smem:$0x3FB5] =	sst s8  }
0x11: {  	[smem:$0x3FB6] =	sst s9;
	s0 =	simm.s32 @!p0 $0x0  }
0x12: {  	s1 =	sld [smem:$0x3F9C];
	s0 =	simm.s32 @p0 $0x1  }
0x13: {  	[smem:$0x3FB7] =	sst s0;
	s0 =	simm.s32 @!p1 $0x0  }
0x14: {  	s2 =	sld [smem:$0x3F9B];
	s0 =	simm.s32 @p1 $0x1  }
0x15: {  	[smem:$0x3FB8] =	sst s0;
	s0 =	simm.s32 @!p2 $0x0  }
0x16: {  	s3 =	sld [smem:$0x3FDB];
	s0 =	simm.s32 @p2 $0x1  }
0x17: {  	s4 =	simm.s32 $0x1BF5;
	[smem:$0x3FBA] =	sst s0  }
0x18: {  	s0 =	sld [smem:$0x3F9D];
	_ =	swait.ge [sflag:s4], $0x0  }
0x19: {  	s7 =	sld [smem:$0x3F9E]  }
0x1a: {  	s8 =	sadd.s32 $0xFFFFE003, lr  }
0x1b: {  	s9 =	sadd.s32 $0xFFFFFEF7, lr;
	s5 =	simm.s32 $0xFFFFFFFF;
	p2 =	slt.u32 s8, $0xFFFFF086  }
0x1c: {  	p1 =	slt.u32 s9, $0xF7A;
	s5 =	simm.s32 @!p2 $0x0  }
0x1d: {  	s5 =	simm.s32 @p1 $0x1;
	p0 =	seq.s32 s7, s2  }
0x1e: {  	s7 =	smul.u32 @!p0 $0xF7A, s2;
	p2 =	seq.s32 @!p0 s5, $0x0  }
0x1f: {  	s9 =	smul.u32 $0xF7A, s1;
	s8 =	simm.s32 @!p0 $0x1BF5;
	p2 =	por !p2, p0  }
0x20: {  	[sflag:s8] =	ssyncset.s32 @!p0 $0xFFFFF086;
	s6 =	sadd.s32 @!p0 s3, s7;
	s7 =	simm.s32 @!p0 $0x108  }
0x21: {  	s3 =	sadd.s32 s3, s9;
	s6 =	sadd.s32 @!p0 $0x88, s6;
	s7 =	simm.s32 @p2 $0x1082  }
0x22: {  	[simem:s7], [sflag:s8] =	dma.local @!p0 [hbm:s6], $0xF7A  }
0x23: {  	s9 =	sor.u32 $0xD0000000, s2;
	s6 =	simm.s32 $0x108;
	_ =	swait.ge @!p0 [sflag:s8], $0x0  }
0x24: {  	s3 =	sadd.s32 $0x88, s3;
	s6 =	simm.s32 @!p1 $0x1082;
	[sflag:s4] =	ssyncset.s32 $0xFFFFF086  }
0x25: {  	[simem:s6], [sflag:s4] =	dma.local [hbm:s3], $0xF7A  }
0x26: {  	[smem:$0x3F9E] =	sst s1;
	(tag) =	ssettag s2;
	_ =	strace s9  }
0x27: {  	s1 =	sld [smem:$0x3FAE]  }
0x28: {  	s2 =	sld [smem:$0x3FAF]  }
0x29: {  	s4 =	sld [smem:$0x3FB1]  }
0x2a: {  	p0 =	seq.s32 s5, $0x0;
	s5 =	sld [smem:$0x3FB2]  }
0x2b: {  	s6 =	sld [smem:$0x3FB3]  }
0x2c: {  	s7 =	sld [smem:$0x3FB4]  }
0x2d: {  	s3 =	simm.s32 $0x108;
	s8 =	sld [smem:$0x3FB5]  }
0x2e: {  	s3 =	simm.s32 @!p0 $0x1082;
	s9 =	sld [smem:$0x3FB6]  }
0x2f: {  	lr =	sadd.s32 s0, s3;
	s0 =	sld [smem:$0x3FAD]  }
0x30: {  	s3 =	sld [smem:$0x3FB0]  }
0x31: {  	[smem:$0x3FB9] =	sst s10  }
0x32: {  	s10 =	sld [smem:$0x3FB7];
	_ =	sdelay $0x3  }
0x33: {  	p0 =	seq.s32 s10, $0x1;
	s10 =	sld [smem:$0x3FB9];
	_ =	sdelay $0x3  }
0x34: {  	[smem:$0x3FB9] =	sst s10  }
0x35: {  	s10 =	sld [smem:$0x3FB8];
	_ =	sdelay $0x3  }
0x36: {  	p1 =	seq.s32 s10, $0x1;
	s10 =	sld [smem:$0x3FB9];
	_ =	sdelay $0x3  }
0x37: {  	[smem:$0x3FB9] =	sst s10  }
0x38: {  	s10 =	sld [smem:$0x3FBA]  }
0x39: {  	_ = 	snop;
	(pc) =	sbr.ind lr, $3  }
0x3a: {  	_ = 	snop  }
0x3b: {  	_ = 	snop  }
0x3c: {  	p2 =	seq.s32 s10, $0x1;
	s10 =	sld [smem:$0x3FB9]  }
0x3d: {  	_ =	shalt  }
0x3e: {  	_ =	shalt  }
0x3f: {  	_ =	shalt  }
0x40: {  	_ =	shalt  }
0x41: {  	_ =	shalt  }
0x42: {  	_ =	shalt  }
0x43: {  	_ =	shalt  }
0x44: {  	_ =	shalt  }
0x45: {  	_ =	shalt  }
0x46: {  	_ =	shalt  }
0x47: {  	_ =	shalt  }
0x48: {  	_ =	shalt  }
0x49: {  	_ =	shalt  }
0x4a: {  	_ =	shalt  }
0x4b: {  	_ =	shalt  }
0x4c: {  	_ =	shalt  }
0x4d: {  	_ =	shalt  }
0x4e: {  	_ =	shalt  }
0x4f: {  	_ =	shalt  }
0x50: {  	_ =	shalt  }
0x51: {  	_ =	shalt  }
0x52: {  	_ =	shalt  }
0x53: {  	_ =	shalt  }
0x54: {  	_ =	shalt  }
0x55: {  	_ =	shalt  }
0x56: {  	_ =	shalt  }
0x57: {  	_ =	shalt  }
0x58: {  	_ =	shalt  }
0x59: {  	_ =	shalt  }
0x5a: {  	_ =	shalt  }
0x5b: {  	_ =	shalt  }
0x5c: {  	_ =	shalt  }
0x5d: {  	_ =	shalt  }
0x5e: {  	_ =	shalt  }
0x5f: {  	_ =	shalt  }
0x60: {  	_ =	shalt  }
0x61: {  	_ =	shalt  }
0x62: {  	_ =	shalt  }
0x63: {  	_ =	shalt  }
0x64: {  	_ =	shalt  }
0x65: {  	_ =	shalt  }
0x66: {  	_ =	shalt  }
0x67: {  	_ =	shalt  }
0x68: {  	_ =	shalt  }
0x69: {  	_ =	shalt  }
0x6a: {  	_ =	shalt  }
0x6b: {  	_ =	shalt  }
0x6c: {  	_ =	shalt  }
0x6d: {  	_ =	shalt  }
0x6e: {  	_ =	shalt  }
0x6f: {  	_ =	shalt  }
0x70: {  	_ =	shalt  }
0x71: {  	_ =	shalt  }
0x72: {  	_ =	shalt  }
0x73: {  	_ =	shalt  }
0x74: {  	_ =	shalt  }
0x75: {  	_ =	shalt  }
0x76: {  	_ =	shalt  }
0x77: {  	_ =	shalt  }
0x78: {  	_ =	shalt  }
0x79: {  	_ =	shalt  }
0x7a: {  	_ =	shalt  }
0x7b: {  	_ =	shalt  }
0x7c: {  	_ =	shalt  }
0x7d: {  	_ =	shalt  }
0x7e: {  	_ =	shalt  }
0x7f: {  	_ =	shalt  }
0x80: {  	_ =	shalt  }
0x81: {  	_ =	shalt  }
0x82: {  	_ =	shalt  }
0x83: {  	_ =	shalt  }
0x84: {  	_ =	shalt  }
0x85: {  	_ =	shalt  }
0x86: {  	_ =	shalt  }
0x87: {  	_ =	shalt  }
.Lfunc_end0:
.L_simem_size_0:
called_computation_lowered:
.L_overlay_start_0:
0x88: {  	s2 =	sld [smem:$0x3FD9]  }
0x89: {  	s3 =	sld [smem:$0x3FFE];
	_ =	sdelay $0x1  }
0x8a: {  	s1 =	srdreg.scid  }
0x8b: {  	s0 =	sand.u32 $0x1, s1  }
0x8c: {  	s17 =	sshll.u32 s0, $0xA;
	s2 =	sadd.s32 s3, s2  }
0x8d: {  	s2 =	sadd.s32 s2, s17  }
0x8e: {  	[smem:$0x3FC5] =	sst s2  }
0x8f: {  	_ = 	snop  }
0x90: {  	s2 =	sld [smem:$0x3FC9]  }
0x91: {  	s18 =	sld [smem:$0x3FC8]  }
0x92: {  	s4 =	sld [smem:$0x3FC7];
	(tm) =	ssettm $0x1  }
0x93: {  	s5 =	sld [smem:$0x3FFB];
	_ =	sdelay $0x3  }
0x94: {  	_ =	strace s5  }
0x95: {  	s5 =	sld [smem:$0x3FFC];
	_ =	sdelay $0x3  }
0x96: {  	_ =	strace s5  }
0x97: {  	s5 =	sld [smem:$0x3FFD];
	_ =	sdelay $0x3  }
0x98: {  	_ =	strace s5  }
0x99: {  	_ =	strace $0x8FFFFFFF  }
0x9a: {  	s19 =	sld [smem:$0x3FDB];
	_ =	sdelay $0x1  }
0x9b: {  	s6 =	simm.s32 $_scs_section_size  }
0x9c: {  	s7 =	simm.s32 $_size__tile_overlayer_lowered;
	s8 =	simm.s32 $_tile_overlayer_lowered  }
0x9d: {  	s22 =	simm.s32 $0x1BFF;
	s21 =	sshll.u32 s8, $0x1;
	s5 =	sadd.s32 s6, s19  }
0x9e: {  	s9 =	simm.s32 $0x0;
	s20 =	sshll.u32 s7, $0x1;
	s7 =	sadd.s32 s21, s5  }
0x9f: {  	[timem:s9], [sflag:s22] =	dma.local [hbm:s7], s20  }
0xa0: {  	_ =	swait.ge [sflag:s22], s20  }
0xa1: {  	s6 =	ssub.s32 $0x0, s20;
	[sflag:s22] =	ssyncset.done $0x0  }
0xa2: {  	[sflag:s22] =	ssyncadd.s32 s6;
	_ =	sdelay $0x1  }
0xa3: {  	s23 =	simm.s32 $0x1B8B  }
0xa4: {  	_ =	swait.ge [sflag:s23], $0x1  }
0xa5: {  	[sflag:s23] =	ssyncset.done $0x0  }
0xa6: {  	s25 =	simm.s32 $0x1B8E;
	s24 =	sld [smem:$0x3FFE];
	[sflag:s23] =	ssyncadd.s32 $0xFFFFFFFF  }
0xa7: {  	s26 =	simm.s32 $execute0_lowered;
	[smem:$0x3FD2] =	sst s25  }
0xa8: {  	s7 =	sshll.u32 s26, $0x1;
	_ =	strace $0x80000046;
	[dreg:$0x1] =	wrdreg $0xFFFFFFFF  }
0xa9: {  	s28 =	simm.s32 $_size_execute0_lowered;
	s5 =	sadd.s32 s5, s7;
	[dreg:$0x0] =	wrdreg $0x0  }
0xaa: {  	s7 =	sshll.u32 s28, $0x1;
	[dreg:$0x2] =	wrdreg s5  }
0xab: {  	[dreg:$0x3] =	wrdreg s7  }
0xac: {  	[dreg:$0x4] =	wrdreg $0xC0  }
0xad: {  	_ =	task [dreg:s9], $0x5FFFF  }
0xae: {  	[dreg:$0x1] =	wrdreg $0xFFFFFFFF  }
0xaf: {  	[dreg:$0x0] =	wrdreg $0x60  }
0xb0: {  	[dreg:$0x2] =	wrdreg s2  }
0xb1: {  	[dreg:$0x3] =	wrdreg s18  }
0xb2: {  	[dreg:$0x4] =	wrdreg s4  }
0xb3: {  	[dreg:$0x5] =	wrdreg s24  }
0xb4: {  	[dreg:$0x6] =	wrdreg $0x9  }
0xb5: {  	_ =	task.clear_ibuf [dreg:s9], $0x7FFFF;
	_ =	strace $0x90000046  }
0xb6: {  	s29 =	simm.s32 $0x9;
	_ =	strace $0x80000048  }
0xb7: {  	_ =	swait.ge [sflag:s29], $0x1  }
0xb8: {  	[sflag:s29] =	ssyncadd.s32 $0xFFFFFFFF  }
0xb9: {  	_ =	strace $0x90000048  }
0xba: {  	_ =	sfence  }
0xbb: {  	s30 =	sld [smem:$0x0];
	_ =	sdelay $0x2  }
0xbc: {  	s31 =	sshll.u32 s1, $0xD;
	s1 =	sshrl.u32 s1, $0x2  }
0xbd: {  	s3 =	sand.u32 $0x4000, s31;
	s1 =	sadd.s32 s1, s30  }
0xbe: {  	s0 =	sor.u32 s3, s0;
	s1 =	sshll.u32 s1, $0x11  }
0xbf: {  	s0 =	sor.u32 s1, s0  }
0xc0: {  	s0 =	sadd.s32 $0x8F2B, s0  }
0xc1: {  	[sflag:s0] =	ssyncadd.remote.s32 $0x1  }
0xc2: {  	_ =	sfence.sel $0xFFFF  }
0xc3: {  	[dreg:$0x0] =	wrdreg $0xFFFFFFFF;
	(pc) =	sbr.abs _section_cstart, $3  }
0xc4: {  	[dreg:$0x1] =	wrdreg $0xFFFFFFFF  }
0xc5: {  	_ =	task.clear_ibuf [dreg:s9], $0x2FFFF;
	_ =	strace $0x9FFFFFFF  }
0xc6: {  	(tm) =	ssettm $0x7FFFFFFF  }
0xc7: {  	_ =	shalt  }
tec
execute0_lowered:
.L_overlay_start_1:
0x0: {  	(tag) =	ssettag $0x1  }
0x1: {  	s0 =	rddreg [dreg:$0x0]  }
0x2: {  	s1 =	rddreg [dreg:$0x1];
	s3 =	simm.s32 $0x0  }
0x3: {  	[smem:$0x7FF] =	sst s3  }
0x4: {  	s2 =	rddreg [dreg:$0x3];
	v0 =	vimm.f32 $1.000000000e+00;
	_ =	strace $0x80000047  }
0x5: {  	(xrf0) =	vmin.scan.msk.f32 $0xffff, v0;
	_ =	sdelay $0x5  }
0x6: {  	v0, _, _ =	vpop (xrf0)  }
0x7: {  	(v2sf) =	vpush v0, $0xF;
	_ =	sdelay $0x1  }
0x8: {  	s20 =	srdreg.scid;
	s7 =	stileid.u32;
	s17 =	simm.s32 $0xC000  }
0x9: {  	s28 =	simm.s32 $0x2;
	s29 =	simm.s32 $0x1;
	s30 =	simm.s32 $0xC500  }
0xa: {  	s3 =	sand.u32 $0x1, s20;
	s4 =	sadd.s32 $0x400, s2;
	s5 =	sshll.u32 s7, $0x1  }
0xb: {  	s7 =	sshrl.u32 s7, $0x2;
	s21 =	ssub.s32 $0x2, s3;
	s5 =	sand.u32 $0x6, s5  }
0xc: {  	s8 =	sshll.u32 s7, $0x4;
	s22 =	sshll.u32 s7, $0xE;
	s6 =	sshrl.u32 s21, $0x1  }
0xd: {  	s3 =	sor.u32 s3, s5;
	s5 =	smul.u32 $0x1060000, s7;
	s0 =	sadd.s32 s0, s8  }
0xe: {  	s2 =	ssub.s32 s21, s6;
	s9 =	sshll.u32 s3, $0x6;
	s6 =	sshll.u32 s3, $0xE  }
0xf: {  	[dreg:$0x5] =	wrdreg s0;
	s21 =	simm.s32 $0x10500;
	s23 =	sor.u32 s8, s9  }
0x10: {  	s24 =	sor.u32 s5, s6;
	s31 =	smax.u32 s2, $0x1;
	s1 =	sadd.s32 s1, s23  }
0x11: {  	s25 =	sshrl.u32 s24, $0x3;
	[dreg:$0xb] =	wrdreg s31;
	s23 =	simm.s32 $0xC180  }
.Ltmp0:
0x12: {  	s7 =	sadd.s32 $0x200, s1;
	[dreg:$0x6] =	wrdreg s1;
	(pc) =	sbr.rel .LBB2_1-.Ltmp0, $4  }
0x13: {  	s24 =	simm.s32 $0xC300;
	s1 =	sadd.s32 $0x400, s1;
	[dreg:$0x7] =	wrdreg s7  }
0x14: {  	s0 =	sadd.s32 s4, s25;
	s25 =	simm.s32 $0xC400;
	[dreg:$0x8] =	wrdreg s1  }
0x15: {  	v1 =	vimm.s32 $0x0;
	[dreg:$0x9] =	wrdreg s0;
	s0 =	sadd.s32 $0x10, s0;
	s26 =	spop (v2sf)  }
0x16: {  	v2 =	vlaneseq.u32;
	v3 =	vimm.f32 $0.0e+00;
	s1 =	simm.s32 $0x0;
	[dreg:$0xa] =	wrdreg s0;
	v0 =	vmov s22;
	p0 =	sgt.f32 s26, $0.0e+00  }
.LBB2_11:
0x17: {  	_ =	swait.ge [sflag:s28], $0x2000  }
0x18: {  	[sflag:s28] =	ssyncset.done $0x0  }
0x19: {  	[sflag:s28] =	ssyncadd.s32 $0xFFFFE000  }
0x1a: {  	_ =	swait.ge [sflag:s28], $0x2000  }
0x1b: {  	s1 =	rddreg [dreg:$0xc]  }
0x1c: {  	s0 =	rddreg [dreg:$0xb];
	s1 =	sadd.s32 $0x1, s1  }
0x1d: {  	p1 =	sne.s32 s1, s0  }
.Ltmp1:
0x1e: {  	_ = 	snop;
	(pc) =	sbr.rel @!p1 .LBB2_12-.Ltmp1, $3  }
0x1f: {  	_ =	sdelay $0x1  }
0x20: {  	[sflag:s28] =	ssyncset.done $0x0  }
0x21: {  	[sflag:s28] =	ssyncadd.s32 $0xFFFFE000  }
.LBB2_1:
0x22: {  	[dreg:$0xc] =	wrdreg s1  }
0x23: {  	s0 =	simm.s32 $0x0;
	s13 =	rddreg [dreg:$0x5]  }
0x24: {  	s2 =	simm.s32 $0x80;
	s3 =	simm.s32 $0x200;
	s14 =	simm.s32 $0x3  }
0x25: {  	[tilespmem:s0], [sflag:$0x3] =	stream.strided.gather [hbm4b:s13+s2], $0xC000, s3, s2, $0x38;
	[tilespmem:$0x18900] =	vst v63  }
0x26: {  	_ =	swait.ge [sflag:s14], $0xC000  }
0x27: {  	[sflag:s14] =	ssyncset.done $0x0  }
0x28: {  	s15 =	rddreg [dreg:$0x6];
	[sflag:s14] =	ssyncadd.s32 $0xFFFF4000  }
0x29: {  	[tilespmem:s17], [sflag:$0x3] =	stream.linear.gather [hbm4b:s15+s0], $0x80, $0x38;
	[tilespmem:$0x18900] =	vst v63  }
0x2a: {  	_ =	swait.ge [sflag:s14], $0x80  }
0x2b: {  	[sflag:s14] =	ssyncset.done $0x0  }
0x2c: {  	s7 =	simm.s32 $0xC080;
	s16 =	rddreg [dreg:$0x7];
	[sflag:s14] =	ssyncadd.s32 $0xFFFFFF80  }
0x2d: {  	[tilespmem:s7], [sflag:$0x3] =	stream.linear.gather [hbm4b:s16+s0], $0x80, $0x38;
	[tilespmem:$0x18900] =	vst v63  }
0x2e: {  	_ =	swait.ge [sflag:s14], $0x80  }
0x2f: {  	[sflag:s14] =	ssyncset.done $0x0  }
0x30: {  	s19 =	simm.s32 $0xC100;
	s18 =	rddreg [dreg:$0x8];
	[sflag:s14] =	ssyncadd.s32 $0xFFFFFF80  }
0x31: {  	[tilespmem:s19], [sflag:$0x3] =	stream.linear.gather [hbm4b:s18+s0], $0x80, $0x38;
	[tilespmem:$0x18900] =	vst v63  }
0x32: {  	_ =	swait.ge [sflag:s14], $0x80  }
.Ltmp2:
0x33: {  	[sflag:s14] =	ssyncset.done $0x0;
	(pc) =	sbr.rel .LBB2_2-.Ltmp2, $4  }
0x34: {  	s22 =	simm.s32 $0x20000;
	s20 =	rddreg [dreg:$0x9];
	[sflag:s14] =	ssyncadd.s32 $0xFFFFFF80  }
0x35: {  	[tilespmem:s21], [sflag:$0x2] =	stream.strided.gather [hbm4b:s20+s2], $0x4180, s22, s2, $0x38;
	[tilespmem:$0x18900] =	vst v63  }
0x36: {  	s31 =	simm.s32 $0x14680;
	s0 =	simm.s32 $0x0;
	s26 =	rddreg [dreg:$0xa]  }
0x37: {  	[tilespmem:s31], [sflag:$0x2] =	stream.strided.gather [hbm4b:s26+s2], $0x4180, s22, s2, $0x38;
	[tilespmem:$0x18900] =	vst v63  }
.LBB2_10:
0x38: {  	s1 =	sand.u32 $0x1, s0;
	v4 =	vld.msk [tilespmem:s23+$0x0], $0xffff  }
0x39: {  	v5 =	vld [tilespmem:$0xC180];
	s2 =	sshll.u32 s1, $0x7  }
0x3a: {  	v6 =	vor.u32 s2, v2;
	_ =	sdelay $0x1  }
0x3b: {  	v8 =	vadd.s32 $0x1, v7;
	vm0 =	vlt.u32 v7, $0x7FFFFFFF  }
0x3c: {  	vm12 =	vgt.s32 v8, v2;
	v4 =	vnsel vm0, $0x0, v4  }
0x3d: {  	v5 =	vsel vm12, v5, v4  }
0x3e: {  	[tilespmem:v6+s24+$0x0] =	vst.idx.msk $0xffff, v5;
	v5 =	vadd.s32 v0, v5  }
0x3f: {  	[tilespmem:v6+s25+$0x0] =	vst.idx.msk $0xffff, v5  }
0x40: {  	v58 =	vor.u32 $0x10, v2;
	v5 =	vld [tilespmem:$0xC190]  }
0x41: {  	v59 =	vor.u32 s2, v58;
	_ =	sdelay $0x2  }
0x42: {  	vm13 =	vgt.s32 v8, v58  }
0x43: {  	v5 =	vsel vm13, v5, v4  }
0x44: {  	[tilespmem:v59+s24+$0x0] =	vst.idx.msk $0xffff, v5;
	v5 =	vadd.s32 v0, v5  }
0x45: {  	[tilespmem:v59+s25+$0x0] =	vst.idx.msk $0xffff, v5  }
0x46: {  	v60 =	vor.u32 $0x20, v2;
	v5 =	vld [tilespmem:$0xC1A0]  }
0x47: {  	v61 =	vor.u32 s2, v60;
	_ =	sdelay $0x2  }
0x48: {  	vm14 =	vgt.s32 v8, v60  }
0x49: {  	v5 =	vsel vm14, v5, v4  }
0x4a: {  	[tilespmem:v61+s24+$0x0] =	vst.idx.msk $0xffff, v5;
	v5 =	vadd.s32 v0, v5  }
0x4b: {  	[tilespmem:v61+s25+$0x0] =	vst.idx.msk $0xffff, v5  }
0x4c: {  	v62 =	vor.u32 $0x30, v2;
	v5 =	vld [tilespmem:$0xC1B0]  }
0x4d: {  	v63 =	vor.u32 s2, v62;
	_ =	sdelay $0x2  }
0x4e: {  	vm15 =	vgt.s32 v8, v62  }
0x4f: {  	v4 =	vsel vm15, v5, v4  }
0x50: {  	s3 =	rddreg [dreg:$0x2];
	s7 =	simm.s32 $0x40;
	s1 =	sshll.u32 s1, $0xD;
	[tilespmem:v63+s24+$0x0] =	vst.idx.msk $0xffff, v4;
	v4 =	vadd.s32 v0, v4  }
0x51: {  	s0 =	sadd.s32 $0x1, s0;
	s1 =	sor.u32 $0xC500, s1;
	s2 =	sor.u32 $0xC400, s2;
	[tilespmem:v63+s25+$0x0] =	vst.idx.msk $0xffff, v4  }
0x52: {  	[tilespmem:s1], [sflag:$0x1] =	stream.indirect.gather [hbm4b:s3+s7], $0x80, s2, s7, $0xb8;
	[tilespmem:$0x18900] =	vst v63  }
.LBB2_2:
0x53: {  	p1 =	seq.s32 s0, $0x0  }
.Ltmp3:
0x54: {  	_ = 	snop;
	(pc) =	sbr.rel @p1 .LBB2_6-.Ltmp3, $1  }
0x55: {  	_ =	sdelay $0x3  }
0x56: {  	s15 =	sadd.s32 $0xFFFFFFFF, s0  }
0x57: {  	v4 =	vmov s15  }
0x58: {  	v5 =	vadd.s32 $0x80, v4  }
0x59: {  	s3 =	sand.u32 $0x1, s15;
	v6 =	vadd.s32 $0x100, v4  }
0x5a: {  	v7 =	vmov s3  }
0x5b: {  	v9 =	vshll.u32 v7, $0x7  }
0x5c: {  	v8 =	vld.idx.msk [tilespmem:v4+s17+$0x0], $0xffff;
	v4 =	vor.u32 v2, v9  }
0x5d: {  	v10 =	vld.idx.msk [tilespmem:v5+s17+$0x0], $0xffff  }
0x5e: {  	v11 =	vld.idx.msk [tilespmem:v6+s17+$0x0], $0xffff;
	_ =	swait.ge [sflag:s28], $0x2000  }
0x5f: {  	[sflag:s28] =	ssyncset.done $0x0  }
0x60: {  	[sflag:s28] =	ssyncadd.s32 $0xFFFFE000  }
0x61: {  	v4 =	vld.idx.msk [tilespmem:v4+s24+$0x0], $0xffff;
	_ =	sdelay $0x4  }
0x62: {  	v5 =	vadd.s32 $0x4000, v4  }
0x63: {  	v6 =	vadd.s32 $0x8000, v4;
	_ =	sdelay $0x1  }
0x64: {  	s18 =	simm.s32 $0x0  }
0x65: {  	v13 =	vmul.u32 $0x4180, v7;
	v12 =	vld.idx.msk [tilespmem:v4+s18+$0x0], $0xffff  }
0x66: {  	v5 =	vld.idx.msk [tilespmem:v5+s18+$0x0], $0xffff  }
0x67: {  	v14 =	vor.u32 v2, v13;
	v4 =	vor.u32 $0x80, v2;
	v6 =	vld.idx.msk [tilespmem:v6+s18+$0x0], $0xffff  }
0x68: {  	v15 =	vadd.s32 v4, v13;
	v4 =	vor.u32 $0x100, v2  }
0x69: {  	v16 =	vadd.s32 v4, v13;
	v4 =	vor.u32 $0x10, v2  }
0x6a: {  	v17 =	vor.u32 v4, v9;
	v12 =	vsub.f32 v12, v8  }
0x6b: {  	v5 =	vsub.f32 v5, v10  }
0x6c: {  	[tilespmem:v14+s21+$0x0] =	vst.idx.msk $0xffff, v12;
	v6 =	vsub.f32 v6, v11  }
0x6d: {  	[tilespmem:v15+s21+$0x0] =	vst.idx.msk $0xffff, v5  }
0x6e: {  	[tilespmem:v16+s21+$0x0] =	vst.idx.msk $0xffff, v6  }
0x6f: {  	v5 =	vld.idx.msk [tilespmem:v17+s24+$0x0], $0xffff;
	_ =	sdelay $0x4  }
0x70: {  	v6 =	vadd.s32 $0x4000, v5  }
0x71: {  	v12 =	vadd.s32 $0x8000, v5;
	_ =	sdelay $0x2  }
0x72: {  	v14 =	vld.idx.msk [tilespmem:v5+s18+$0x0], $0xffff  }
0x73: {  	v6 =	vld.idx.msk [tilespmem:v6+s18+$0x0], $0xffff  }
0x74: {  	v15 =	vor.u32 v4, v13;
	v5 =	vor.u32 $0x90, v2;
	v12 =	vld.idx.msk [tilespmem:v12+s18+$0x0], $0xffff  }
0x75: {  	v16 =	vadd.s32 v5, v13;
	v5 =	vor.u32 $0x110, v2  }
0x76: {  	v17 =	vadd.s32 v5, v13;
	v5 =	vor.u32 $0x20, v2  }
0x77: {  	v18 =	vor.u32 v5, v9;
	v14 =	vsub.f32 v14, v8  }
0x78: {  	v6 =	vsub.f32 v6, v10  }
0x79: {  	[tilespmem:v15+s21+$0x0] =	vst.idx.msk $0xffff, v14;
	v12 =	vsub.f32 v12, v11  }
0x7a: {  	[tilespmem:v16+s21+$0x0] =	vst.idx.msk $0xffff, v6  }
0x7b: {  	[tilespmem:v17+s21+$0x0] =	vst.idx.msk $0xffff, v12  }
0x7c: {  	v6 =	vld.idx.msk [tilespmem:v18+s24+$0x0], $0xffff;
	_ =	sdelay $0x4  }
0x7d: {  	v12 =	vadd.s32 $0x4000, v6  }
0x7e: {  	v14 =	vadd.s32 $0x8000, v6;
	_ =	sdelay $0x2  }
0x7f: {  	v15 =	vld.idx.msk [tilespmem:v6+s18+$0x0], $0xffff  }
0x80: {  	v12 =	vld.idx.msk [tilespmem:v12+s18+$0x0], $0xffff  }
0x81: {  	v16 =	vor.u32 v5, v13;
	v6 =	vor.u32 $0xA0, v2;
	v14 =	vld.idx.msk [tilespmem:v14+s18+$0x0], $0xffff  }
0x82: {  	v17 =	vadd.s32 v6, v13;
	v6 =	vor.u32 $0x120, v2  }
0x83: {  	v18 =	vadd.s32 v6, v13;
	v6 =	vor.u32 $0x30, v2  }
0x84: {  	v9 =	vor.u32 v6, v9;
	v15 =	vsub.f32 v15, v8  }
0x85: {  	v12 =	vsub.f32 v12, v10  }
0x86: {  	[tilespmem:v16+s21+$0x0] =	vst.idx.msk $0xffff, v15;
	v14 =	vsub.f32 v14, v11  }
0x87: {  	[tilespmem:v17+s21+$0x0] =	vst.idx.msk $0xffff, v12  }
0x88: {  	[tilespmem:v18+s21+$0x0] =	vst.idx.msk $0xffff, v14  }
0x89: {  	v9 =	vld.idx.msk [tilespmem:v9+s24+$0x0], $0xffff;
	_ =	sdelay $0x4  }
0x8a: {  	v12 =	vadd.s32 $0x4000, v9  }
0x8b: {  	v14 =	vadd.s32 $0x8000, v9;
	_ =	sdelay $0x2  }
0x8c: {  	v9 =	vld.idx.msk [tilespmem:v9+s18+$0x0], $0xffff  }
0x8d: {  	v12 =	vld.idx.msk [tilespmem:v12+s18+$0x0], $0xffff  }
0x8e: {  	v15 =	vor.u32 v6, v13;
	v16 =	vor.u32 $0xB0, v2;
	v14 =	vld.idx.msk [tilespmem:v14+s18+$0x0], $0xffff  }
0x8f: {  	v16 =	vadd.s32 v16, v13;
	v17 =	vor.u32 $0x130, v2  }
0x90: {  	v13 =	vadd.s32 v17, v13  }
0x91: {  	s1 =	sshll.u32 s3, $0x6;
	v8 =	vsub.f32 v9, v8  }
0x92: {  	v9 =	vmul.u32 $0x80, v2;
	v10 =	vsub.f32 v12, v10;
	v12 =	vmov s1  }
0x93: {  	[tilespmem:v15+s21+$0x0] =	vst.idx.msk $0xffff, v8;
	v8 =	vsub.f32 v14, v11;
	v11 =	vshll.u32 v12, $0x7  }
0x94: {  	v12 =	vmul.u32 $0x83, v7;
	[tilespmem:v16+s21+$0x0] =	vst.idx.msk $0xffff, v10;
	v7 =	vor.u32 v9, v11  }
0x95: {  	s7 =	simm.s32 $0x2;
	v14 =	vor.u32 $0x1800, v9;
	[tilespmem:v13+s21+$0x0] =	vst.idx.msk $0xffff, v8;
	v13 =	vor.u32 s18, v7  }
0x96: {  	s10 =	simm.s32 $0x3;
	v10 =	vor.u32 $0x1000, v9;
	v9 =	vor.u32 $0x800, v9;
	v16 =	vor.u32 s7, v7  }
0x97: {  	s2 =	simm.s32 $0x1;
	v9 =	vor.u32 v9, v11;
	v17 =	vor.u32 s10, v7;
	_ =	swait.ge [sflag:s29], $0x2000  }
0x98: {  	s19 =	simm.s32 $0x5;
	s12 =	simm.s32 $0x6;
	v10 =	vor.u32 v10, v11;
	v11 =	vor.u32 v14, v11;
	v14 =	vor.u32 s2, v7;
	[sflag:s29] =	ssyncset.done $0x0  }
0x99: {  	s8 =	simm.s32 $0x7;
	s13 =	simm.s32 $0x4;
	v8 =	vadd.s32 $0x3, v12;
	v19 =	vor.u32 s19, v7;
	[sflag:s29] =	ssyncadd.s32 $0xFFFFE000  }
0x9a: {  	s11 =	simm.s32 $0x8;
	s22 =	simm.s32 $0x9;
	v21 =	vor.u32 s13, v7;
	v27 =	vor.u32 s12, v7;
	v28 =	vor.u32 s8, v7;
	v23 =	vld.idx.msk [tilespmem:v13+s30+$0x0], $0xffff  }
0x9b: {  	v30 =	vor.u32 s11, v7;
	v38 =	vor.u32 s22, v7;
	v12 =	vadd.s32 s18, v8;
	v24 =	vld.idx.msk [tilespmem:v16+s30+$0x0], $0xffff  }
0x9c: {  	s31 =	simm.s32 $0xB;
	v18 =	vor.u32 s18, v9;
	v20 =	vadd.s32 s12, v8;
	v15 =	vadd.s32 s8, v8;
	v17 =	vld.idx.msk [tilespmem:v17+s30+$0x0], $0xffff  }
0x9d: {  	v22 =	vadd.s32 s19, v8;
	v12 =	vshll.u32 v12, $0x7;
	v16 =	vor.u32 s31, v7;
	v29 =	vld.idx.msk [tilespmem:v14+s30+$0x0], $0xffff  }
0x9e: {  	v42 =	vor.u32 s19, v9;
	v22 =	vshll.u32 v22, $0x7;
	v33 =	vor.u32 v2, v12;
	v32 =	vld.idx.msk [tilespmem:v19+s30+$0x0], $0xffff  }
0x9f: {  	v15 =	vshll.u32 v15, $0x7;
	v37 =	vor.u32 v2, v22;
	v13 =	vadd.s32 s10, v8;
	v21 =	vld.idx.msk [tilespmem:v21+s30+$0x0], $0xffff  }
0xa0: {  	v41 =	vor.u32 v2, v15;
	v14 =	vadd.s32 s7, v8;
	v28 =	vld.idx.msk [tilespmem:v28+s30+$0x0], $0xffff;
	v13 =	vshll.u32 v13, $0x7  }
0xa1: {  	v26 =	vor.u32 s8, v9;
	v27 =	vld.idx.msk [tilespmem:v27+s30+$0x0], $0xffff;
	v14 =	vshll.u32 v14, $0x7;
	v31 =	vor.u32 v2, v13  }
0xa2: {  	s9 =	simm.s32 $0xA;
	s14 =	simm.s32 $0xF;
	v19 =	vor.u32 s10, v9;
	v35 =	vor.u32 v2, v14;
	v36 =	vld.idx.msk [tilespmem:v16+s30+$0x0], $0xffff;
	v16 =	vshll.u32 v20, $0x7  }
0xa3: {  	s26 =	simm.s32 $0xD;
	v39 =	vor.u32 s9, v7;
	v43 =	vor.u32 s14, v7;
	v30 =	vld.idx.msk [tilespmem:v30+s30+$0x0], $0xffff;
	[tilespmem:v33+s21+$0x0] =	vst.idx.msk $0xffff, v23;
	v40 =	vor.u32 v2, v16  }
0xa4: {  	v34 =	vor.u32 s13, v9;
	v60 =	vadd.s32 s26, v8;
	v25 =	vor.u32 v4, v12;
	[tilespmem:v37+s21+$0x0] =	vst.idx.msk $0xffff, v32;
	v44 =	vld.idx.msk [tilespmem:v18+s30+$0x0], $0xffff  }
0xa5: {  	v45 =	vor.u32 v4, v22;
	v20 =	vadd.s32 s13, v8;
	[tilespmem:v41+s21+$0x0] =	vst.idx.msk $0xffff, v28;
	v28 =	vor.u32 s26, v7;
	v61 =	vld.idx.msk [tilespmem:v42+s30+$0x0], $0xffff  }
0xa6: {  	s20 =	simm.s32 $0xE;
	v62 =	vor.u32 v4, v15;
	v20 =	vshll.u32 v20, $0x7;
	v26 =	vld.idx.msk [tilespmem:v26+s30+$0x0], $0xffff;
	[tilespmem:v31+s21+$0x0] =	vst.idx.msk $0xffff, v17;
	v31 =	vadd.s32 s11, v8  }
0xa7: {  	v17 =	vor.u32 s20, v7;
	v23 =	vor.u32 v2, v20;
	[tilespmem:v35+s21+$0x0] =	vst.idx.msk $0xffff, v24;
	v33 =	vld.idx.msk [tilespmem:v19+s30+$0x0], $0xffff;
	v19 =	vshll.u32 v31, $0x7  }
0xa8: {  	v63 =	vor.u32 s11, v9;
	v56 =	vld.idx.msk [tilespmem:v39+s30+$0x0], $0xffff;
	v41 =	vshll.u32 v60, $0x7;
	v54 =	vor.u32 v2, v19;
	[tilespmem:v40+s21+$0x0] =	vst.idx.msk $0xffff, v27  }
0xa9: {  	s16 =	simm.s32 $0xC;
	v52 =	vor.u32 v4, v13;
	v53 =	vor.u32 v2, v41;
	v31 =	vadd.s32 s9, v8;
	[tilespmem:v25+s21+$0x0] =	vst.idx.msk $0xffff, v44  }
0xaa: {  	v24 =	vadd.s32 s20, v8;
	v18 =	vshll.u32 v31, $0x7;
	v28 =	vld.idx.msk [tilespmem:v28+s30+$0x0], $0xffff;
	v27 =	vor.u32 s16, v7;
	[tilespmem:v45+s21+$0x0] =	vst.idx.msk $0xffff, v61  }
0xab: {  	v57 =	vadd.s32 s31, v8;
	v42 =	vld.idx.msk [tilespmem:v43+s30+$0x0], $0xffff;
	v24 =	vshll.u32 v24, $0x7;
	v55 =	vor.u32 v2, v18;
	[tilespmem:v62+s21+$0x0] =	vst.idx.msk $0xffff, v26  }
0xac: {  	v59 =	vor.u32 v2, v24;
	v58 =	vld.idx.msk [tilespmem:v17+s30+$0x0], $0xffff;
	v17 =	vshll.u32 v57, $0x7;
	[tilespmem:v23+s21+$0x0] =	vst.idx.msk $0xffff, v21;
	v23 =	vor.u32 s9, v9  }
0xad: {  	v46 =	vor.u32 s20, v9;
	v60 =	vor.u32 s19, v10;
	v25 =	vor.u32 v2, v17;
	v34 =	vld.idx.msk [tilespmem:v34+s30+$0x0], $0xffff;
	[tilespmem:v54+s21+$0x0] =	vst.idx.msk $0xffff, v30  }
0xae: {  	v49 =	vor.u32 v4, v20;
	v21 =	vadd.s32 s22, v8;
	[tilespmem:v52+s21+$0x0] =	vst.idx.msk $0xffff, v33;
	v30 =	vor.u32 s31, v9;
	v32 =	vld.idx.msk [tilespmem:v63+s30+$0x0], $0xffff  }
0xaf: {  	v35 =	vshll.u32 v21, $0x7;
	[tilespmem:v53+s21+$0x0] =	vst.idx.msk $0xffff, v28;
	v28 =	vor.u32 v4, v19;
	v47 =	vld.idx.msk [tilespmem:v27+s30+$0x0], $0xffff;
	v27 =	vadd.s32 s2, v8  }
0xb0: {  	v31 =	vld.idx.msk [tilespmem:v38+s30+$0x0], $0xffff;
	v54 =	vor.u32 s26, v9;
	[tilespmem:v55+s21+$0x0] =	vst.idx.msk $0xffff, v56;
	v21 =	vshll.u32 v27, $0x7;
	v27 =	vor.u32 v2, v35  }
0xb1: {  	v55 =	vadd.s32 s14, v8;
	v56 =	vor.u32 s22, v9;
	[tilespmem:v59+s21+$0x0] =	vst.idx.msk $0xffff, v58;
	v48 =	vld.idx.msk [tilespmem:v23+s30+$0x0], $0xffff;
	v57 =	vor.u32 v2, v21  }
0xb2: {  	v23 =	vshll.u32 v55, $0x7;
	v55 =	vld.idx.msk [tilespmem:v60+s30+$0x0], $0xffff;
	v60 =	vor.u32 s10, v10;
	[tilespmem:v25+s21+$0x0] =	vst.idx.msk $0xffff, v36;
	v25 =	vor.u32 v4, v18  }
0xb3: {  	v61 =	vor.u32 v4, v17;
	v58 =	vor.u32 s2, v9;
	[tilespmem:v49+s21+$0x0] =	vst.idx.msk $0xffff, v34;
	v26 =	vld.idx.msk [tilespmem:v30+s30+$0x0], $0xffff  }
0xb4: {  	v59 =	vor.u32 s9, v10;
	v33 =	vld.idx.msk [tilespmem:v46+s30+$0x0], $0xffff;
	v30 =	vor.u32 v2, v23;
	[tilespmem:v28+s21+$0x0] =	vst.idx.msk $0xffff, v32  }
0xb5: {  	v62 =	vor.u32 s14, v9;
	v63 =	vor.u32 v4, v41;
	v37 =	vld.idx.msk [tilespmem:v54+s30+$0x0], $0xffff;
	[tilespmem:v27+s21+$0x0] =	vst.idx.msk $0xffff, v31  }
0xb6: {  	v52 =	vor.u32 v4, v35;
	v31 =	vor.u32 s31, v10;
	v27 =	vadd.s32 s16, v8;
	[tilespmem:v57+s21+$0x0] =	vst.idx.msk $0xffff, v29;
	v29 =	vld.idx.msk [tilespmem:v56+s30+$0x0], $0xffff  }
0xb7: {  	v53 =	vor.u32 s26, v10;
	v32 =	vld.idx.msk [tilespmem:v60+s30+$0x0], $0xffff;
	[tilespmem:v25+s21+$0x0] =	vst.idx.msk $0xffff, v48;
	v27 =	vshll.u32 v27, $0x7;
	v57 =	vor.u32 v5, v22  }
0xb8: {  	v56 =	vor.u32 s12, v9;
	v36 =	vld.idx.msk [tilespmem:v58+s30+$0x0], $0xffff;
	[tilespmem:v61+s21+$0x0] =	vst.idx.msk $0xffff, v26;
	v26 =	vor.u32 v2, v27  }
0xb9: {  	v54 =	vor.u32 s22, v10;
	v25 =	vld.idx.msk [tilespmem:v59+s30+$0x0], $0xffff;
	[tilespmem:v30+s21+$0x0] =	vst.idx.msk $0xffff, v42  }
0xba: {  	v30 =	vor.u32 s13, v10;
	[tilespmem:v63+s21+$0x0] =	vst.idx.msk $0xffff, v37;
	v59 =	vor.u32 v4, v24;
	v37 =	vld.idx.msk [tilespmem:v62+s30+$0x0], $0xffff  }
0xbb: {  	v58 =	vor.u32 v5, v17;
	v28 =	vld.idx.msk [tilespmem:v31+s30+$0x0], $0xffff;
	v31 =	vor.u32 s19, v11;
	[tilespmem:v52+s21+$0x0] =	vst.idx.msk $0xffff, v29  }
0xbc: {  	v61 =	vor.u32 s20, v10;
	v63 =	vor.u32 v5, v41;
	v29 =	vld.idx.msk [tilespmem:v53+s30+$0x0], $0xffff;
	[tilespmem:v57+s21+$0x0] =	vst.idx.msk $0xffff, v55  }
0xbd: {  	v55 =	vld.idx.msk [tilespmem:v56+s30+$0x0], $0xffff;
	v57 =	vor.u32 v4, v16;
	[tilespmem:v26+s21+$0x0] =	vst.idx.msk $0xffff, v47;
	v26 =	vor.u32 s16, v9  }
0xbe: {  	v39 =	vor.u32 v5, v23;
	v52 =	vor.u32 v5, v35;
	v56 =	vor.u32 s26, v11;
	v62 =	vld.idx.msk [tilespmem:v54+s30+$0x0], $0xffff  }
0xbf: {  	v53 =	vor.u32 s22, v11;
	v30 =	vld.idx.msk [tilespmem:v30+s30+$0x0], $0xffff;
	v54 =	vor.u32 v4, v23;
	[tilespmem:v59+s21+$0x0] =	vst.idx.msk $0xffff, v33  }
0xc0: {  	v22 =	vor.u32 v6, v22;
	v31 =	vld.idx.msk [tilespmem:v31+s30+$0x0], $0xffff;
	[tilespmem:v58+s21+$0x0] =	vst.idx.msk $0xffff, v28;
	v28 =	vor.u32 s7, v9  }
0xc1: {  	v59 =	vor.u32 s12, v10;
	v58 =	vor.u32 v5, v20;
	[tilespmem:v63+s21+$0x0] =	vst.idx.msk $0xffff, v29;
	v29 =	vld.idx.msk [tilespmem:v61+s30+$0x0], $0xffff  }
0xc2: {  	v60 =	vor.u32 s31, v11;
	v61 =	vor.u32 v5, v24;
	[tilespmem:v57+s21+$0x0] =	vst.idx.msk $0xffff, v55;
	v26 =	vld.idx.msk [tilespmem:v26+s30+$0x0], $0xffff  }
0xc3: {  	v49 =	vor.u32 v4, v27;
	v55 =	vor.u32 s18, v10;
	[tilespmem:v52+s21+$0x0] =	vst.idx.msk $0xffff, v62;
	v51 =	vld.idx.msk [tilespmem:v56+s30+$0x0], $0xffff  }
0xc4: {  	v50 =	vor.u32 s16, v10;
	v62 =	vor.u32 s20, v11;
	[tilespmem:v54+s21+$0x0] =	vst.idx.msk $0xffff, v37;
	v54 =	vor.u32 v5, v13;
	v63 =	vld.idx.msk [tilespmem:v53+s30+$0x0], $0xffff  }
0xc5: {  	v17 =	vor.u32 v6, v17;
	v35 =	vor.u32 v6, v35;
	v28 =	vld.idx.msk [tilespmem:v28+s30+$0x0], $0xffff;
	[tilespmem:v22+s21+$0x0] =	vst.idx.msk $0xffff, v31  }
0xc6: {  	v53 =	vor.u32 s13, v11;
	v31 =	vor.u32 v6, v41;
	[tilespmem:v58+s21+$0x0] =	vst.idx.msk $0xffff, v30;
	v30 =	vld.idx.msk [tilespmem:v59+s30+$0x0], $0xffff  }
0xc7: {  	v52 =	vor.u32 s14, v10;
	v56 =	vor.u32 v4, v14;
	v22 =	vld.idx.msk [tilespmem:v60+s30+$0x0], $0xffff;
	[tilespmem:v61+s21+$0x0] =	vst.idx.msk $0xffff, v29  }
0xc8: {  	v57 =	vor.u32 s7, v10;
	v59 =	vor.u32 v5, v16;
	v33 =	vld.idx.msk [tilespmem:v55+s30+$0x0], $0xffff;
	[tilespmem:v49+s21+$0x0] =	vst.idx.msk $0xffff, v26  }
0xc9: {  	v60 =	vor.u32 s11, v10;
	v29 =	vor.u32 v4, v21;
	v26 =	vld.idx.msk [tilespmem:v62+s30+$0x0], $0xffff;
	[tilespmem:v54+s21+$0x0] =	vst.idx.msk $0xffff, v32  }
0xca: {  	v24 =	vor.u32 v6, v24;
	v61 =	vor.u32 s8, v10;
	[tilespmem:v35+s21+$0x0] =	vst.idx.msk $0xffff, v63;
	v35 =	vld.idx.msk [tilespmem:v50+s30+$0x0], $0xffff  }
0xcb: {  	v20 =	vor.u32 v6, v20;
	v58 =	vor.u32 s2, v10;
	v32 =	vld.idx.msk [tilespmem:v53+s30+$0x0], $0xffff;
	[tilespmem:v31+s21+$0x0] =	vst.idx.msk $0xffff, v51  }
0xcc: {  	v13 =	vor.u32 v6, v13;
	v62 =	vor.u32 s12, v11;
	v31 =	vld.idx.msk [tilespmem:v52+s30+$0x0], $0xffff;
	[tilespmem:v56+s21+$0x0] =	vst.idx.msk $0xffff, v28  }
0xcd: {  	v63 =	vor.u32 s10, v11;
	v28 =	vor.u32 v5, v27;
	[tilespmem:v59+s21+$0x0] =	vst.idx.msk $0xffff, v30;
	v34 =	vld.idx.msk [tilespmem:v57+s30+$0x0], $0xffff  }
0xce: {  	v53 =	vor.u32 s16, v11;
	v52 =	vor.u32 v5, v12;
	[tilespmem:v29+s21+$0x0] =	vst.idx.msk $0xffff, v36;
	v57 =	vld.idx.msk [tilespmem:v60+s30+$0x0], $0xffff  }
0xcf: {  	v55 =	vor.u32 s18, v11;
	v54 =	vor.u32 v5, v14;
	v41 =	vld.idx.msk [tilespmem:v61+s30+$0x0], $0xffff;
	[tilespmem:v24+s21+$0x0] =	vst.idx.msk $0xffff, v26  }
0xd0: {  	v60 =	vor.u32 v5, v19;
	v40 =	vld.idx.msk [tilespmem:v58+s30+$0x0], $0xffff;
	v58 =	vor.u32 s14, v11;
	[tilespmem:v20+s21+$0x0] =	vst.idx.msk $0xffff, v32  }
0xd1: {  	v56 =	vor.u32 v5, v21;
	v30 =	vld.idx.msk [tilespmem:v62+s30+$0x0], $0xffff;
	v62 =	vor.u32 s11, v11;
	[tilespmem:v39+s21+$0x0] =	vst.idx.msk $0xffff, v31  }
0xd2: {  	s26 =	sshll.u32 s15, $0x7;
	v59 =	vor.u32 s2, v11;
	v61 =	vor.u32 v5, v15;
	v29 =	vld.idx.msk [tilespmem:v63+s30+$0x0], $0xffff;
	[tilespmem:v28+s21+$0x0] =	vst.idx.msk $0xffff, v35  }
0xd3: {  	s31 =	sadd.s32 s6, s26;
	v63 =	vor.u32 v5, v18;
	v28 =	vor.u32 s8, v11;
	[tilespmem:v52+s21+$0x0] =	vst.idx.msk $0xffff, v33;
	v31 =	vld.idx.msk [tilespmem:v53+s30+$0x0], $0xffff  }
0xd4: {  	v38 =	vor.u32 s7, v11;
	v37 =	vor.u32 s9, v11;
	s2 =	sand.u32 $0x7FFFFC00, s31;
	v36 =	vor.u32 v6, v27;
	[tilespmem:v54+s21+$0x0] =	vst.idx.msk $0xffff, v34;
	v33 =	vld.idx.msk [tilespmem:v55+s30+$0x0], $0xffff  }
0xd5: {  	s1 =	sand.u32 $0x380, s26;
	s2 =	sadd.s32 s5, s2;
	v26 =	vor.u32 v6, v15;
	v35 =	vor.u32 v6, v16;
	[tilespmem:v60+s21+$0x0] =	vst.idx.msk $0xffff, v57;
	v15 =	vld.idx.msk [tilespmem:v58+s30+$0x0], $0xffff  }
0xd6: {  	v27 =	vor.u32 v6, v21;
	s1 =	sor.u32 s1, s2;
	v34 =	vor.u32 v6, v12;
	[tilespmem:v56+s21+$0x0] =	vst.idx.msk $0xffff, v40;
	v21 =	vld.idx.msk [tilespmem:v62+s30+$0x0], $0xffff  }
0xd7: {  	v24 =	vor.u32 v6, v19;
	v18 =	vor.u32 v6, v18;
	s1 =	sshrl.u32 s1, $0x3;
	[tilespmem:v61+s21+$0x0] =	vst.idx.msk $0xffff, v41;
	v19 =	vld.idx.msk [tilespmem:v59+s30+$0x0], $0xffff  }
0xd8: {  	v20 =	vor.u32 v6, v23;
	s15 =	sadd.s32 s4, s1;
	s1 =	simm.s32 $0x10;
	v16 =	vor.u32 v6, v14;
	[tilespmem:v63+s21+$0x0] =	vst.idx.msk $0xffff, v25;
	v32 =	vld.idx.msk [tilespmem:v28+s30+$0x0], $0xffff  }
.LBB2_4:
0xd9: {  	s7 =	sadd.s32 $0x1, s1  }
0xda: {  	v12 =	vadd.s32 s1, v8;
	v25 =	vor.u32 s1, v7;
	v39 =	vor.u32 s1, v9;
	s10 =	sadd.s32 $0x6, s1;
	s22 =	sadd.s32 $0x7, s1;
	v28 =	vld.idx.msk [tilespmem:v38+s30+$0x0], $0xffff;
	[tilespmem:v35+s21+$0x0] =	vst.idx.msk $0xffff, v30;
	s9 =	smov.u32 s1  }
0xdb: {  	s19 =	sadd.s32 $0x2, s1;
	s16 =	sadd.s32 $0xB, s1;
	s12 =	sadd.s32 $0xC, s1;
	v12 =	vshll.u32 v12, $0x7;
	v30 =	vadd.s32 s10, v8;
	v14 =	vadd.s32 s22, v8;
	[tilespmem:v34+s21+$0x0] =	vst.idx.msk $0xffff, v33  }
0xdc: {  	s18 =	sadd.s32 $0x10, s1;
	v33 =	vor.u32 s19, v7;
	s11 =	sadd.s32 $0x3, s9;
	s20 =	sadd.s32 $0xD, s9;
	v23 =	vor.u32 v4, v12;
	v14 =	vshll.u32 v14, $0x7;
	[tilespmem:v36+s21+$0x0] =	vst.idx.msk $0xffff, v31  }
0xdd: {  	p1 =	slt.u32 s1, $0x70;
	s2 =	sadd.s32 $0x4, s9;
	v35 =	vor.u32 s22, v9;
	v31 =	vadd.s32 s11, v8;
	v34 =	vor.u32 s11, v7;
	[tilespmem:v13+s21+$0x0] =	vst.idx.msk $0xffff, v29;
	v29 =	vld.idx.msk [tilespmem:v37+s30+$0x0], $0xffff  }
0xde: {  	s14 =	sadd.s32 $0x5, s9;
	v36 =	vor.u32 s7, v7;
	v13 =	vshll.u32 v31, $0x7;
	v31 =	vor.u32 s2, v7;
	[tilespmem:v20+s21+$0x0] =	vst.idx.msk $0xffff, v15  }
0xdf: {  	v37 =	vor.u32 s14, v7;
	v15 =	vadd.s32 s14, v8;
	v20 =	vld.idx.msk [tilespmem:v25+s30+$0x0], $0xffff;
	v25 =	vor.u32 s2, v9;
	[tilespmem:v17+s21+$0x0] =	vst.idx.msk $0xffff, v22  }
0xe0: {  	v38 =	vor.u32 s10, v7;
	v17 =	vor.u32 s11, v9;
	v22 =	vshll.u32 v15, $0x7;
	[tilespmem:v26+s21+$0x0] =	vst.idx.msk $0xffff, v32  }
0xe1: {  	s8 =	sadd.s32 $0x8, s9;
	v15 =	vshll.u32 v30, $0x7;
	v30 =	vor.u32 s16, v7;
	v26 =	vor.u32 s22, v7;
	v32 =	vld.idx.msk [tilespmem:v33+s30+$0x0], $0xffff;
	[tilespmem:v16+s21+$0x0] =	vst.idx.msk $0xffff, v28  }
0xe2: {  	s1 =	sadd.s32 $0x9, s9;
	v40 =	vor.u32 s8, v7;
	v16 =	vadd.s32 s19, v8;
	v33 =	vld.idx.msk [tilespmem:v34+s30+$0x0], $0xffff;
	v34 =	vadd.s32 s8, v8;
	[tilespmem:v27+s21+$0x0] =	vst.idx.msk $0xffff, v19  }
0xe3: {  	s13 =	sadd.s32 $0xA, s9;
	v16 =	vshll.u32 v16, $0x7;
	v27 =	vor.u32 v2, v13;
	v28 =	vld.idx.msk [tilespmem:v36+s30+$0x0], $0xffff;
	v19 =	vshll.u32 v34, $0x7;
	[tilespmem:v18+s21+$0x0] =	vst.idx.msk $0xffff, v29  }
0xe4: {  	v18 =	vadd.s32 s13, v8;
	v36 =	vor.u32 s13, v7;
	v34 =	vld.idx.msk [tilespmem:v37+s30+$0x0], $0xffff;
	v37 =	vadd.s32 s20, v8;
	[tilespmem:v24+s21+$0x0] =	vst.idx.msk $0xffff, v21  }
0xe5: {  	v41 =	vor.u32 v2, v22;
	v21 =	vor.u32 v2, v12;
	v18 =	vshll.u32 v18, $0x7;
	v31 =	vld.idx.msk [tilespmem:v31+s30+$0x0], $0xffff  }
0xe6: {  	v43 =	vor.u32 s14, v9;
	v44 =	vor.u32 v2, v15;
	v42 =	vor.u32 v2, v16;
	v45 =	vld.idx.msk [tilespmem:v30+s30+$0x0], $0xffff  }
0xe7: {  	v47 =	vadd.s32 s16, v8;
	v46 =	vadd.s32 s1, v8;
	v30 =	vld.idx.msk [tilespmem:v38+s30+$0x0], $0xffff;
	v38 =	vor.u32 v2, v14  }
0xe8: {  	s26 =	sadd.s32 $0xE, s9;
	v48 =	vadd.s32 s2, v8;
	v50 =	vor.u32 s1, v7;
	v29 =	vor.u32 s10, v9;
	v49 =	vld.idx.msk [tilespmem:v26+s30+$0x0], $0xffff  }
0xe9: {  	s31 =	sadd.s32 $0xF, s9;
	v24 =	vadd.s32 s26, v8;
	v26 =	vshll.u32 v37, $0x7;
	[tilespmem:v27+s21+$0x0] =	vst.idx.msk $0xffff, v33;
	v27 =	vld.idx.msk [tilespmem:v40+s30+$0x0], $0xffff;
	v33 =	vor.u32 s26, v7  }
0xea: {  	v24 =	vshll.u32 v24, $0x7;
	v37 =	vor.u32 v2, v18;
	v40 =	vor.u32 s31, v7;
	[tilespmem:v21+s21+$0x0] =	vst.idx.msk $0xffff, v20;
	v17 =	vld.idx.msk [tilespmem:v17+s30+$0x0], $0xffff  }
0xeb: {  	v21 =	vshll.u32 v48, $0x7;
	v20 =	vadd.s32 s31, v8;
	v39 =	vld.idx.msk [tilespmem:v39+s30+$0x0], $0xffff;
	[tilespmem:v42+s21+$0x0] =	vst.idx.msk $0xffff, v32;
	v32 =	vor.u32 s13, v9  }
0xec: {  	v42 =	vor.u32 v2, v21;
	[tilespmem:v41+s21+$0x0] =	vst.idx.msk $0xffff, v34;
	v34 =	vor.u32 v4, v22;
	v41 =	vor.u32 s1, v9  }
0xed: {  	v47 =	vshll.u32 v47, $0x7;
	v48 =	vor.u32 s14, v10;
	[tilespmem:v44+s21+$0x0] =	vst.idx.msk $0xffff, v30;
	v44 =	vld.idx.msk [tilespmem:v50+s30+$0x0], $0xffff;
	v50 =	vor.u32 s12, v7  }
0xee: {  	v52 =	vor.u32 s8, v9;
	v51 =	vor.u32 v2, v19;
	v30 =	vor.u32 v4, v15;
	v36 =	vld.idx.msk [tilespmem:v36+s30+$0x0], $0xffff  }
0xef: {  	v20 =	vshll.u32 v20, $0x7;
	[tilespmem:v38+s21+$0x0] =	vst.idx.msk $0xffff, v49;
	v38 =	vor.u32 s20, v7;
	v33 =	vld.idx.msk [tilespmem:v33+s30+$0x0], $0xffff;
	v49 =	vor.u32 v2, v24  }
0xf0: {  	v54 =	vor.u32 v4, v14;
	v53 =	vor.u32 v4, v13;
	v55 =	vor.u32 v2, v20;
	v43 =	vld.idx.msk [tilespmem:v43+s30+$0x0], $0xffff  }
0xf1: {  	v56 =	vadd.s32 s7, v8;
	[tilespmem:v42+s21+$0x0] =	vst.idx.msk $0xffff, v31;
	v31 =	vor.u32 v4, v18;
	v40 =	vld.idx.msk [tilespmem:v40+s30+$0x0], $0xffff;
	v42 =	vor.u32 s31, v9  }
0xf2: {  	[tilespmem:v23+s21+$0x0] =	vst.idx.msk $0xffff, v39;
	v23 =	vshll.u32 v56, $0x7;
	v35 =	vld.idx.msk [tilespmem:v35+s30+$0x0], $0xffff;
	v39 =	vor.u32 v2, v47;
	v56 =	vor.u32 s26, v9  }
0xf3: {  	v58 =	vor.u32 s16, v9;
	v57 =	vor.u32 v5, v22;
	[tilespmem:v51+s21+$0x0] =	vst.idx.msk $0xffff, v27;
	v51 =	vor.u32 s1, v10;
	v50 =	vld.idx.msk [tilespmem:v50+s30+$0x0], $0xffff  }
0xf4: {  	v46 =	vshll.u32 v46, $0x7;
	v59 =	vor.u32 v4, v19;
	[tilespmem:v37+s21+$0x0] =	vst.idx.msk $0xffff, v36;
	v36 =	vadd.s32 s12, v8;
	v37 =	vld.idx.msk [tilespmem:v38+s30+$0x0], $0xffff  }
0xf5: {  	v60 =	vor.u32 v2, v26;
	v27 =	vor.u32 v5, v15;
	v38 =	vor.u32 s13, v10;
	[tilespmem:v49+s21+$0x0] =	vst.idx.msk $0xffff, v33  }
0xf6: {  	v33 =	vld.idx.msk [tilespmem:v25+s30+$0x0], $0xffff;
	[tilespmem:v34+s21+$0x0] =	vst.idx.msk $0xffff, v43;
	v34 =	vor.u32 v2, v46;
	v25 =	vshll.u32 v36, $0x7;
	v36 =	vor.u32 s20, v9  }
0xf7: {  	v43 =	vor.u32 v2, v23;
	v32 =	vld.idx.msk [tilespmem:v32+s30+$0x0], $0xffff;
	[tilespmem:v39+s21+$0x0] =	vst.idx.msk $0xffff, v45;
	v39 =	vor.u32 v4, v20  }
0xf8: {  	v49 =	vor.u32 v4, v24;
	v45 =	vor.u32 s7, v9;
	[tilespmem:v54+s21+$0x0] =	vst.idx.msk $0xffff, v35;
	v35 =	vld.idx.msk [tilespmem:v58+s30+$0x0], $0xffff;
	v54 =	vor.u32 s31, v10  }
0xf9: {  	[tilespmem:v53+s21+$0x0] =	vst.idx.msk $0xffff, v17;
	v17 =	vor.u32 v6, v47;
	v53 =	vld.idx.msk [tilespmem:v56+s30+$0x0], $0xffff;
	v56 =	vor.u32 s26, v10  }
0xfa: {  	v58 =	vor.u32 v4, v47;
	v52 =	vld.idx.msk [tilespmem:v52+s30+$0x0], $0xffff;
	[tilespmem:v60+s21+$0x0] =	vst.idx.msk $0xffff, v37  }
0xfb: {  	[tilespmem:v34+s21+$0x0] =	vst.idx.msk $0xffff, v44;
	v34 =	vor.u32 s16, v10;
	v36 =	vld.idx.msk [tilespmem:v36+s30+$0x0], $0xffff  }
0xfc: {  	[tilespmem:v43+s21+$0x0] =	vst.idx.msk $0xffff, v28;
	v37 =	vld.idx.msk [tilespmem:v41+s30+$0x0], $0xffff;
	v41 =	vor.u32 v4, v26  }
0xfd: {  	v44 =	vor.u32 v4, v46;
	v43 =	vld.idx.msk [tilespmem:v45+s30+$0x0], $0xffff;
	[tilespmem:v31+s21+$0x0] =	vst.idx.msk $0xffff, v32;
	v31 =	vor.u32 s20, v10  }
0xfe: {  	v32 =	vor.u32 v4, v21;
	v28 =	vld.idx.msk [tilespmem:v38+s30+$0x0], $0xffff;
	[tilespmem:v55+s21+$0x0] =	vst.idx.msk $0xffff, v40;
	v38 =	vor.u32 v5, v20  }
0xff: {  	v40 =	vor.u32 s2, v10;
	v45 =	vld.idx.msk [tilespmem:v48+s30+$0x0], $0xffff;
	[tilespmem:v58+s21+$0x0] =	vst.idx.msk $0xffff, v35;
	v35 =	vor.u32 v2, v25  }
0x100: {  	[tilespmem:v59+s21+$0x0] =	vst.idx.msk $0xffff, v52;
	v34 =	vld.idx.msk [tilespmem:v34+s30+$0x0], $0xffff  }
0x101: {  	v47 =	vor.u32 v5, v47;
	v48 =	vor.u32 s14, v11;
	[tilespmem:v41+s21+$0x0] =	vst.idx.msk $0xffff, v36;
	v36 =	vld.idx.msk [tilespmem:v42+s30+$0x0], $0xffff  }
0x102: {  	v41 =	vor.u32 s11, v10;
	[tilespmem:v44+s21+$0x0] =	vst.idx.msk $0xffff, v37;
	v31 =	vld.idx.msk [tilespmem:v31+s30+$0x0], $0xffff  }
0x103: {  	[tilespmem:v32+s21+$0x0] =	vst.idx.msk $0xffff, v33;
	v32 =	vld.idx.msk [tilespmem:v51+s30+$0x0], $0xffff;
	v33 =	vor.u32 v5, v26  }
0x104: {  	v37 =	vld.idx.msk [tilespmem:v40+s30+$0x0], $0xffff;
	v40 =	vor.u32 v5, v46;
	[tilespmem:v35+s21+$0x0] =	vst.idx.msk $0xffff, v50;
	v35 =	vor.u32 s12, v9  }
0x105: {  	v42 =	vor.u32 s1, v11;
	[tilespmem:v57+s21+$0x0] =	vst.idx.msk $0xffff, v45;
	v29 =	vld.idx.msk [tilespmem:v29+s30+$0x0], $0xffff  }
0x106: {  	v44 =	vld.idx.msk [tilespmem:v48+s30+$0x0], $0xffff;
	[tilespmem:v47+s21+$0x0] =	vst.idx.msk $0xffff, v34;
	v34 =	vor.u32 s20, v11  }
0x107: {  	v22 =	vor.u32 v6, v22;
	v45 =	vor.u32 s19, v9;
	v41 =	vld.idx.msk [tilespmem:v41+s30+$0x0], $0xffff;
	[tilespmem:v49+s21+$0x0] =	vst.idx.msk $0xffff, v53  }
0x108: {  	v47 =	vor.u32 v5, v21;
	v48 =	vor.u32 s10, v10;
	[tilespmem:v33+s21+$0x0] =	vst.idx.msk $0xffff, v31;
	v31 =	vld.idx.msk [tilespmem:v56+s30+$0x0], $0xffff  }
0x109: {  	[tilespmem:v40+s21+$0x0] =	vst.idx.msk $0xffff, v32;
	v32 =	vor.u32 s16, v11;
	v33 =	vld.idx.msk [tilespmem:v35+s30+$0x0], $0xffff;
	v35 =	vor.u32 v5, v24  }
0x10a: {  	v49 =	vor.u32 s26, v11;
	v40 =	vld.idx.msk [tilespmem:v42+s30+$0x0], $0xffff;
	v42 =	vor.u32 v4, v25;
	[tilespmem:v39+s21+$0x0] =	vst.idx.msk $0xffff, v36  }
0x10b: {  	[tilespmem:v30+s21+$0x0] =	vst.idx.msk $0xffff, v29;
	v29 =	vor.u32 v6, v46;
	v30 =	vor.u32 s12, v10;
	v34 =	vld.idx.msk [tilespmem:v34+s30+$0x0], $0xffff  }
0x10c: {  	v39 =	vor.u32 v6, v26;
	v36 =	vld.idx.msk [tilespmem:v45+s30+$0x0], $0xffff;
	[tilespmem:v22+s21+$0x0] =	vst.idx.msk $0xffff, v44  }
0x10d: {  	v44 =	vor.u32 v5, v13;
	[tilespmem:v47+s21+$0x0] =	vst.idx.msk $0xffff, v37;
	v37 =	vor.u32 s2, v11;
	v45 =	vld.idx.msk [tilespmem:v48+s30+$0x0], $0xffff  }
0x10e: {  	v46 =	vor.u32 s9, v10;
	v47 =	vor.u32 v4, v16;
	v22 =	vld.idx.msk [tilespmem:v32+s30+$0x0], $0xffff;
	[tilespmem:v35+s21+$0x0] =	vst.idx.msk $0xffff, v31  }
0x10f: {  	v31 =	vor.u32 v4, v23;
	v32 =	vor.u32 s19, v10;
	[tilespmem:v42+s21+$0x0] =	vst.idx.msk $0xffff, v33;
	v33 =	vld.idx.msk [tilespmem:v49+s30+$0x0], $0xffff  }
0x110: {  	v35 =	vor.u32 s7, v10;
	[tilespmem:v29+s21+$0x0] =	vst.idx.msk $0xffff, v40;
	v29 =	vld.idx.msk [tilespmem:v30+s30+$0x0], $0xffff;
	v30 =	vor.u32 v6, v24  }
0x111: {  	v26 =	vor.u32 v6, v14;
	v40 =	vor.u32 s8, v10;
	[tilespmem:v39+s21+$0x0] =	vst.idx.msk $0xffff, v34;
	v34 =	vld.idx.msk [tilespmem:v54+s30+$0x0], $0xffff  }
0x112: {  	v24 =	vor.u32 v6, v19;
	v39 =	vor.u32 s22, v10;
	[tilespmem:v44+s21+$0x0] =	vst.idx.msk $0xffff, v41;
	v37 =	vld.idx.msk [tilespmem:v37+s30+$0x0], $0xffff  }
0x113: {  	v42 =	vor.u32 v5, v25;
	v41 =	vld.idx.msk [tilespmem:v46+s30+$0x0], $0xffff;
	[tilespmem:v47+s21+$0x0] =	vst.idx.msk $0xffff, v36;
	v36 =	vor.u32 s10, v11  }
0x114: {  	v44 =	vor.u32 v5, v12;
	[tilespmem:v31+s21+$0x0] =	vst.idx.msk $0xffff, v43;
	v31 =	vld.idx.msk [tilespmem:v32+s30+$0x0], $0xffff;
	v32 =	vor.u32 s11, v11  }
0x115: {  	v46 =	vor.u32 s12, v11;
	v43 =	vor.u32 v5, v16;
	v35 =	vld.idx.msk [tilespmem:v35+s30+$0x0], $0xffff;
	[tilespmem:v30+s21+$0x0] =	vst.idx.msk $0xffff, v33  }
0x116: {  	v47 =	vor.u32 v5, v23;
	v33 =	vor.u32 s9, v11;
	[tilespmem:v27+s21+$0x0] =	vst.idx.msk $0xffff, v45;
	v27 =	vld.idx.msk [tilespmem:v40+s30+$0x0], $0xffff  }
0x117: {  	v19 =	vor.u32 v5, v19;
	v40 =	vor.u32 s31, v11;
	v39 =	vld.idx.msk [tilespmem:v39+s30+$0x0], $0xffff;
	[tilespmem:v38+s21+$0x0] =	vst.idx.msk $0xffff, v34  }
0x118: {  	v14 =	vor.u32 v5, v14;
	v45 =	vor.u32 s7, v11;
	v30 =	vld.idx.msk [tilespmem:v36+s30+$0x0], $0xffff;
	[tilespmem:v42+s21+$0x0] =	vst.idx.msk $0xffff, v29  }
0x119: {  	v21 =	vor.u32 v6, v21;
	[tilespmem:v44+s21+$0x0] =	vst.idx.msk $0xffff, v41;
	v29 =	vld.idx.msk [tilespmem:v32+s30+$0x0], $0xffff;
	v32 =	vor.u32 s22, v11  }
0x11a: {  	v42 =	vor.u32 v5, v18;
	v41 =	vor.u32 s8, v11;
	[tilespmem:v43+s21+$0x0] =	vst.idx.msk $0xffff, v31;
	v31 =	vld.idx.msk [tilespmem:v46+s30+$0x0], $0xffff  }
.Ltmp4:
0x11b: {  	v38 =	vor.u32 s19, v11;
	v33 =	vld.idx.msk [tilespmem:v33+s30+$0x0], $0xffff;
	[tilespmem:v47+s21+$0x0] =	vst.idx.msk $0xffff, v35;
	v35 =	vor.u32 v6, v15;
	(pc) =	sbr.rel @p1 .LBB2_4-.Ltmp4, $4  }
0x11c: {  	v13 =	vor.u32 v6, v13;
	v34 =	vor.u32 v6, v12;
	[tilespmem:v19+s21+$0x0] =	vst.idx.msk $0xffff, v27;
	v15 =	vld.idx.msk [tilespmem:v40+s30+$0x0], $0xffff  }
0x11d: {  	v18 =	vor.u32 v6, v18;
	v36 =	vor.u32 v6, v25;
	v19 =	vld.idx.msk [tilespmem:v45+s30+$0x0], $0xffff;
	[tilespmem:v14+s21+$0x0] =	vst.idx.msk $0xffff, v39  }
0x11e: {  	v16 =	vor.u32 v6, v16;
	[tilespmem:v21+s21+$0x0] =	vst.idx.msk $0xffff, v37;
	v32 =	vld.idx.msk [tilespmem:v32+s30+$0x0], $0xffff;
	v37 =	vor.u32 s13, v11  }
0x11f: {  	v20 =	vor.u32 v6, v20;
	s1 =	smov.u32 s18;
	v27 =	vor.u32 v6, v23;
	v21 =	vld.idx.msk [tilespmem:v41+s30+$0x0], $0xffff;
	[tilespmem:v42+s21+$0x0] =	vst.idx.msk $0xffff, v28  }
0x120: {  	_ =	sdelay $0x3  }
0x121: {  	[tilespmem:v35+s21+$0x0] =	vst.idx.msk $0xffff, v30  }
0x122: {  	[tilespmem:v34+s21+$0x0] =	vst.idx.msk $0xffff, v33  }
0x123: {  	[tilespmem:v36+s21+$0x0] =	vst.idx.msk $0xffff, v31  }
0x124: {  	[tilespmem:v13+s21+$0x0] =	vst.idx.msk $0xffff, v29  }
0x125: {  	v4 =	vld.idx.msk [tilespmem:v38+s30+$0x0], $0xffff;
	[tilespmem:v17+s21+$0x0] =	vst.idx.msk $0xffff, v22  }
0x126: {  	v5 =	vld.idx.msk [tilespmem:v37+s30+$0x0], $0xffff;
	[tilespmem:v20+s21+$0x0] =	vst.idx.msk $0xffff, v15  }
0x127: {  	s1 =	smul.u32 $0x10600, s3;
	p1 =	seq.s32 s0, $0x80;
	[tilespmem:v27+s21+$0x0] =	vst.idx.msk $0xffff, v19  }
.Ltmp5:
0x128: {  	[tilespmem:v26+s21+$0x0] =	vst.idx.msk $0xffff, v32;
	(pc) =	sbr.rel @p1 .LBB2_11-.Ltmp5, $4  }
0x129: {  	[tilespmem:v24+s21+$0x0] =	vst.idx.msk $0xffff, v21  }
0x12a: {  	s1 =	sshrl.u32 s1, $0x2;
	[tilespmem:v16+s21+$0x0] =	vst.idx.msk $0xffff, v4  }
0x12b: {  	s2 =	simm.s32 $0x80;
	s31 =	simm.s32 $0x20000;
	s1 =	sadd.s32 $0x10500, s1;
	[tilespmem:v18+s21+$0x0] =	vst.idx.msk $0xffff, v5  }
0x12c: {  	[hbm4b:s15+s2] =	stream.strided.scatter [tilespmem:s1], [sflag:$0x2], $0x2000, s31, s2, $0x38;
	[tilespmem:$0x18900] =	vst v63  }
.LBB2_6:
.Ltmp6:
0x12d: {  	(pc) =	sbr.rel @!p0 .LBB2_10-.Ltmp6, $2  }
0x12e: {  	_ =	sdelay $0x2  }
0x12f: {  	v7 =	vimm.s32 $0xFFFFFFFF  }
0x130: {  	v4 =	vmov s0  }
0x131: {  	v5 =	vand.u32 $0xFF, v4;
	v6 =	vor.u32 $0x100, v4  }
0x132: {  	v5 =	vadd.s32 $0x80, v5;
	_ =	sdelay $0x2  }
0x133: {  	v4 =	vld.idx.msk [tilespmem:v4+s17+$0x0], $0xffff  }
0x134: {  	v6 =	vld.idx.msk [tilespmem:v6+s17+$0x0], $0xffff  }
0x135: {  	s18 =	simm.s32 $0x0;
	s3 =	simm.s32 $0xF0;
	s15 =	simm.s32 $0x80F0;
	v5 =	vld.idx.msk [tilespmem:v5+s17+$0x0], $0xffff  }
.LBB2_8:
0x136: {  	v8 =	vld [tilespmem:s15+$0xFFFF7F10]  }
0x137: {  	v9 =	vld [tilespmem:s15+$0xFFFFBF10];
	_ =	sdelay $0x1  }
0x138: {  	v10 =	vld [tilespmem:s15+$0xFFFFFF10];
	_ =	sdelay $0x2  }
0x139: {  	v8 =	vsub.f32 v4, v8;
	v9 =	vsub.f32 v5, v9;
	_ =	sdelay $0x1  }
0x13a: {  	v10 =	vsub.f32 v6, v10;
	v8 =	vmul.f32 v8, v8;
	v9 =	vmul.f32 v9, v9;
	_ =	sdelay $0x1  }
0x13b: {  	v15 =	vmul.f32 v10, v10;
	v8 =	vadd.f32 v9, v8;
	_ =	sdelay $0x1  }
0x13c: {  	v8 =	vadd.f32 v15, v8;
	_ =	sdelay $0x1  }
0x13d: {  	vm0 =	vlt.f32 v8, $3.999999910e-02  }
0x13e: {  	v8 =	vsel vm0, $0x1, v1  }
0x13f: {  	(xrf0) =	vadd.scan.msk.s32 $0xffff, v8;
	_ =	sdelay $0x5  }
0x140: {  	v8, _, _ =	vpop (xrf0)  }
0x141: {  	v8 =	vadd.s32 v7, v8;
	_ =	sdelay $0x2  }
0x142: {  	s1 =	sadd.s32 $0xFFFFFF10, s3  }
0x143: {  	v16 =	vor.u32 s1, v2  }
0x144: {  	[tilespmem:v8+s23+$0x0] =	vst.idx.msk vm0, v16  }
0x145: {  	v8 =	vld [tilespmem:s15+$0xFFFF7F20]  }
0x146: {  	v9 =	vld [tilespmem:s15+$0xFFFFBF20];
	_ =	sdelay $0x1  }
0x147: {  	v17 =	vld [tilespmem:s15+$0xFFFFFF20];
	_ =	sdelay $0x2  }
0x148: {  	v8 =	vsub.f32 v4, v8;
	v9 =	vsub.f32 v5, v9;
	_ =	sdelay $0x1  }
0x149: {  	v10 =	vsub.f32 v6, v17;
	v8 =	vmul.f32 v8, v8;
	v9 =	vmul.f32 v9, v9;
	_ =	sdelay $0x1  }
0x14a: {  	v18 =	vmul.f32 v10, v10;
	v8 =	vadd.f32 v9, v8;
	_ =	sdelay $0x1  }
0x14b: {  	v8 =	vadd.f32 v18, v8;
	_ =	sdelay $0x1  }
0x14c: {  	vm1 =	vlt.f32 v8, $3.999999910e-02  }
0x14d: {  	v8 =	vsel vm1, $0x1, v1  }
0x14e: {  	(xrf0) =	vadd.scan.msk.s32 $0xffff, v8;
	_ =	sdelay $0x1  }
0x14f: {  	v8 =	vmpcnt.ones.xlane vm0;
	_ =	sdelay $0x3  }
0x150: {  	v7 =	vadd.s32 v7, v8;
	v8, _, _ =	vpop (xrf0)  }
0x151: {  	v8 =	vadd.s32 v7, v8;
	_ =	sdelay $0x2  }
0x152: {  	s7 =	sadd.s32 $0xFFFFFF20, s3  }
0x153: {  	v19 =	vor.u32 s7, v2  }
0x154: {  	[tilespmem:v8+s23+$0x0] =	vst.idx.msk vm1, v19  }
0x155: {  	v8 =	vld [tilespmem:s15+$0xFFFF7F30]  }
0x156: {  	v9 =	vld [tilespmem:s15+$0xFFFFBF30];
	_ =	sdelay $0x1  }
0x157: {  	v20 =	vld [tilespmem:s15+$0xFFFFFF30];
	_ =	sdelay $0x2  }
0x158: {  	v8 =	vsub.f32 v4, v8;
	v9 =	vsub.f32 v5, v9;
	_ =	sdelay $0x1  }
0x159: {  	v10 =	vsub.f32 v6, v20;
	v8 =	vmul.f32 v8, v8;
	v9 =	vmul.f32 v9, v9;
	_ =	sdelay $0x1  }
0x15a: {  	v21 =	vmul.f32 v10, v10;
	v8 =	vadd.f32 v9, v8;
	_ =	sdelay $0x1  }
0x15b: {  	v8 =	vadd.f32 v21, v8;
	_ =	sdelay $0x1  }
0x15c: {  	vm13 =	vlt.f32 v8, $3.999999910e-02  }
0x15d: {  	v8 =	vsel vm13, $0x1, v1  }
0x15e: {  	(xrf0) =	vadd.scan.msk.s32 $0xffff, v8;
	_ =	sdelay $0x1  }
0x15f: {  	v8 =	vmpcnt.ones.xlane vm1;
	_ =	sdelay $0x3  }
0x160: {  	v7 =	vadd.s32 v7, v8;
	v8, _, _ =	vpop (xrf0)  }
0x161: {  	v8 =	vadd.s32 v7, v8;
	_ =	sdelay $0x2  }
0x162: {  	s8 =	sadd.s32 $0xFFFFFF30, s3  }
0x163: {  	v22 =	vor.u32 s8, v2  }
0x164: {  	[tilespmem:v8+s23+$0x0] =	vst.idx.msk vm13, v22  }
0x165: {  	v8 =	vld [tilespmem:s15+$0xFFFF7F40]  }
0x166: {  	v9 =	vld [tilespmem:s15+$0xFFFFBF40];
	_ =	sdelay $0x1  }
0x167: {  	v23 =	vld [tilespmem:s15+$0xFFFFFF40];
	_ =	sdelay $0x2  }
0x168: {  	v8 =	vsub.f32 v4, v8;
	v9 =	vsub.f32 v5, v9;
	_ =	sdelay $0x1  }
0x169: {  	v10 =	vsub.f32 v6, v23;
	v8 =	vmul.f32 v8, v8;
	v9 =	vmul.f32 v9, v9;
	_ =	sdelay $0x1  }
0x16a: {  	v24 =	vmul.f32 v10, v10;
	v8 =	vadd.f32 v9, v8;
	_ =	sdelay $0x1  }
0x16b: {  	v8 =	vadd.f32 v24, v8;
	_ =	sdelay $0x1  }
0x16c: {  	vm14 =	vlt.f32 v8, $3.999999910e-02  }
0x16d: {  	v8 =	vsel vm14, $0x1, v1  }
0x16e: {  	(xrf0) =	vadd.scan.msk.s32 $0xffff, v8;
	_ =	sdelay $0x1  }
0x16f: {  	v8 =	vmpcnt.ones.xlane vm13;
	_ =	sdelay $0x3  }
0x170: {  	v7 =	vadd.s32 v7, v8;
	v8, _, _ =	vpop (xrf0)  }
0x171: {  	v8 =	vadd.s32 v7, v8;
	_ =	sdelay $0x2  }
0x172: {  	s9 =	sadd.s32 $0xFFFFFF40, s3  }
0x173: {  	v25 =	vor.u32 s9, v2  }
0x174: {  	[tilespmem:v8+s23+$0x0] =	vst.idx.msk vm14, v25  }
0x175: {  	v8 =	vld [tilespmem:s15+$0xFFFF7F50]  }
0x176: {  	v9 =	vld [tilespmem:s15+$0xFFFFBF50];
	_ =	sdelay $0x1  }
0x177: {  	v26 =	vld [tilespmem:s15+$0xFFFFFF50];
	_ =	sdelay $0x2  }
0x178: {  	v8 =	vsub.f32 v4, v8;
	v9 =	vsub.f32 v5, v9;
	_ =	sdelay $0x1  }
0x179: {  	v10 =	vsub.f32 v6, v26;
	v8 =	vmul.f32 v8, v8;
	v9 =	vmul.f32 v9, v9;
	_ =	sdelay $0x1  }
0x17a: {  	v27 =	vmul.f32 v10, v10;
	v8 =	vadd.f32 v9, v8;
	_ =	sdelay $0x1  }
0x17b: {  	v8 =	vadd.f32 v27, v8;
	_ =	sdelay $0x1  }
0x17c: {  	vm15 =	vlt.f32 v8, $3.999999910e-02  }
0x17d: {  	v8 =	vsel vm15, $0x1, v1  }
0x17e: {  	(xrf0) =	vadd.scan.msk.s32 $0xffff, v8;
	_ =	sdelay $0x1  }
0x17f: {  	v8 =	vmpcnt.ones.xlane vm14;
	_ =	sdelay $0x3  }
0x180: {  	v7 =	vadd.s32 v7, v8;
	v8, _, _ =	vpop (xrf0)  }
0x181: {  	v8 =	vadd.s32 v7, v8;
	_ =	sdelay $0x2  }
0x182: {  	s10 =	sadd.s32 $0xFFFFFF50, s3  }
0x183: {  	v28 =	vor.u32 s10, v2  }
0x184: {  	[tilespmem:v8+s23+$0x0] =	vst.idx.msk vm15, v28  }
0x185: {  	v8 =	vld [tilespmem:s15+$0xFFFF7F60]  }
0x186: {  	v9 =	vld [tilespmem:s15+$0xFFFFBF60];
	_ =	sdelay $0x1  }
0x187: {  	v29 =	vld [tilespmem:s15+$0xFFFFFF60];
	_ =	sdelay $0x2  }
0x188: {  	v8 =	vsub.f32 v4, v8;
	v9 =	vsub.f32 v5, v9;
	_ =	sdelay $0x1  }
0x189: {  	v10 =	vsub.f32 v6, v29;
	v8 =	vmul.f32 v8, v8;
	v9 =	vmul.f32 v9, v9;
	_ =	sdelay $0x1  }
0x18a: {  	v30 =	vmul.f32 v10, v10;
	v8 =	vadd.f32 v9, v8;
	_ =	sdelay $0x1  }
0x18b: {  	v8 =	vadd.f32 v30, v8;
	_ =	sdelay $0x1  }
0x18c: {  	vm4 =	vlt.f32 v8, $3.999999910e-02  }
0x18d: {  	v8 =	vsel vm4, $0x1, v1  }
0x18e: {  	(xrf0) =	vadd.scan.msk.s32 $0xffff, v8;
	_ =	sdelay $0x1  }
0x18f: {  	v8 =	vmpcnt.ones.xlane vm15;
	_ =	sdelay $0x3  }
0x190: {  	v7 =	vadd.s32 v7, v8;
	v8, _, _ =	vpop (xrf0)  }
0x191: {  	v8 =	vadd.s32 v7, v8;
	_ =	sdelay $0x2  }
0x192: {  	s11 =	sadd.s32 $0xFFFFFF60, s3  }
0x193: {  	v31 =	vor.u32 s11, v2  }
0x194: {  	[tilespmem:v8+s23+$0x0] =	vst.idx.msk vm4, v31  }
0x195: {  	v8 =	vld [tilespmem:s15+$0xFFFF7F70]  }
0x196: {  	v9 =	vld [tilespmem:s15+$0xFFFFBF70];
	_ =	sdelay $0x1  }
0x197: {  	v32 =	vld [tilespmem:s15+$0xFFFFFF70];
	_ =	sdelay $0x2  }
0x198: {  	v8 =	vsub.f32 v4, v8;
	v9 =	vsub.f32 v5, v9;
	_ =	sdelay $0x1  }
0x199: {  	v10 =	vsub.f32 v6, v32;
	v8 =	vmul.f32 v8, v8;
	v9 =	vmul.f32 v9, v9;
	_ =	sdelay $0x1  }
0x19a: {  	v33 =	vmul.f32 v10, v10;
	v8 =	vadd.f32 v9, v8;
	_ =	sdelay $0x1  }
0x19b: {  	v8 =	vadd.f32 v33, v8;
	_ =	sdelay $0x1  }
0x19c: {  	vm5 =	vlt.f32 v8, $3.999999910e-02  }
0x19d: {  	v8 =	vsel vm5, $0x1, v1  }
0x19e: {  	(xrf0) =	vadd.scan.msk.s32 $0xffff, v8;
	_ =	sdelay $0x1  }
0x19f: {  	v8 =	vmpcnt.ones.xlane vm4;
	_ =	sdelay $0x3  }
0x1a0: {  	v7 =	vadd.s32 v7, v8;
	v8, _, _ =	vpop (xrf0)  }
0x1a1: {  	v8 =	vadd.s32 v7, v8;
	_ =	sdelay $0x2  }
0x1a2: {  	s12 =	sadd.s32 $0xFFFFFF70, s3  }
0x1a3: {  	v34 =	vor.u32 s12, v2  }
0x1a4: {  	[tilespmem:v8+s23+$0x0] =	vst.idx.msk vm5, v34  }
0x1a5: {  	v8 =	vld [tilespmem:s15+$0xFFFF7F80]  }
0x1a6: {  	v9 =	vld [tilespmem:s15+$0xFFFFBF80];
	_ =	sdelay $0x1  }
0x1a7: {  	v35 =	vld [tilespmem:s15+$0xFFFFFF80];
	_ =	sdelay $0x2  }
0x1a8: {  	v8 =	vsub.f32 v4, v8;
	v9 =	vsub.f32 v5, v9;
	_ =	sdelay $0x1  }
0x1a9: {  	v10 =	vsub.f32 v6, v35;
	v8 =	vmul.f32 v8, v8;
	v9 =	vmul.f32 v9, v9;
	_ =	sdelay $0x1  }
0x1aa: {  	v36 =	vmul.f32 v10, v10;
	v8 =	vadd.f32 v9, v8;
	_ =	sdelay $0x1  }
0x1ab: {  	v8 =	vadd.f32 v36, v8;
	_ =	sdelay $0x1  }
0x1ac: {  	vm6 =	vlt.f32 v8, $3.999999910e-02  }
0x1ad: {  	v8 =	vsel vm6, $0x1, v1  }
0x1ae: {  	(xrf0) =	vadd.scan.msk.s32 $0xffff, v8;
	_ =	sdelay $0x1  }
0x1af: {  	v8 =	vmpcnt.ones.xlane vm5;
	_ =	sdelay $0x3  }
0x1b0: {  	v7 =	vadd.s32 v7, v8;
	v8, _, _ =	vpop (xrf0)  }
0x1b1: {  	v8 =	vadd.s32 v7, v8;
	_ =	sdelay $0x2  }
0x1b2: {  	s13 =	sadd.s32 $0xFFFFFF80, s3  }
0x1b3: {  	v37 =	vor.u32 s13, v2  }
0x1b4: {  	[tilespmem:v8+s23+$0x0] =	vst.idx.msk vm6, v37  }
0x1b5: {  	v8 =	vld [tilespmem:s15+$0xFFFF7F90]  }
0x1b6: {  	v9 =	vld [tilespmem:s15+$0xFFFFBF90];
	_ =	sdelay $0x1  }
0x1b7: {  	v38 =	vld [tilespmem:s15+$0xFFFFFF90];
	_ =	sdelay $0x2  }
0x1b8: {  	v8 =	vsub.f32 v4, v8;
	v9 =	vsub.f32 v5, v9;
	_ =	sdelay $0x1  }
0x1b9: {  	v10 =	vsub.f32 v6, v38;
	v8 =	vmul.f32 v8, v8;
	v9 =	vmul.f32 v9, v9;
	_ =	sdelay $0x1  }
0x1ba: {  	v39 =	vmul.f32 v10, v10;
	v8 =	vadd.f32 v9, v8;
	_ =	sdelay $0x1  }
0x1bb: {  	v8 =	vadd.f32 v39, v8;
	_ =	sdelay $0x1  }
0x1bc: {  	vm7 =	vlt.f32 v8, $3.999999910e-02  }
0x1bd: {  	v8 =	vsel vm7, $0x1, v1  }
0x1be: {  	(xrf0) =	vadd.scan.msk.s32 $0xffff, v8;
	_ =	sdelay $0x1  }
0x1bf: {  	v8 =	vmpcnt.ones.xlane vm6;
	_ =	sdelay $0x3  }
0x1c0: {  	v7 =	vadd.s32 v7, v8;
	v8, _, _ =	vpop (xrf0)  }
0x1c1: {  	v8 =	vadd.s32 v7, v8;
	_ =	sdelay $0x2  }
0x1c2: {  	s14 =	sadd.s32 $0xFFFFFF90, s3  }
0x1c3: {  	v40 =	vor.u32 s14, v2  }
0x1c4: {  	[tilespmem:v8+s23+$0x0] =	vst.idx.msk vm7, v40  }
0x1c5: {  	v8 =	vld [tilespmem:s15+$0xFFFF7FA0]  }
0x1c6: {  	v9 =	vld [tilespmem:s15+$0xFFFFBFA0];
	_ =	sdelay $0x1  }
0x1c7: {  	v41 =	vld [tilespmem:s15+$0xFFFFFFA0];
	_ =	sdelay $0x2  }
0x1c8: {  	v8 =	vsub.f32 v4, v8;
	v9 =	vsub.f32 v5, v9;
	_ =	sdelay $0x1  }
0x1c9: {  	v10 =	vsub.f32 v6, v41;
	v8 =	vmul.f32 v8, v8;
	v9 =	vmul.f32 v9, v9;
	_ =	sdelay $0x1  }
0x1ca: {  	v42 =	vmul.f32 v10, v10;
	v8 =	vadd.f32 v9, v8;
	_ =	sdelay $0x1  }
0x1cb: {  	v8 =	vadd.f32 v42, v8;
	_ =	sdelay $0x1  }
0x1cc: {  	vm8 =	vlt.f32 v8, $3.999999910e-02  }
0x1cd: {  	v8 =	vsel vm8, $0x1, v1  }
0x1ce: {  	(xrf0) =	vadd.scan.msk.s32 $0xffff, v8;
	_ =	sdelay $0x1  }
0x1cf: {  	v8 =	vmpcnt.ones.xlane vm7;
	_ =	sdelay $0x3  }
0x1d0: {  	v7 =	vadd.s32 v7, v8;
	v8, _, _ =	vpop (xrf0)  }
0x1d1: {  	v8 =	vadd.s32 v7, v8;
	_ =	sdelay $0x2  }
0x1d2: {  	s16 =	sadd.s32 $0xFFFFFFA0, s3  }
0x1d3: {  	v43 =	vor.u32 s16, v2  }
0x1d4: {  	[tilespmem:v8+s23+$0x0] =	vst.idx.msk vm8, v43  }
0x1d5: {  	v8 =	vld [tilespmem:s15+$0xFFFF7FB0]  }
0x1d6: {  	v9 =	vld [tilespmem:s15+$0xFFFFBFB0];
	_ =	sdelay $0x1  }
0x1d7: {  	v44 =	vld [tilespmem:s15+$0xFFFFFFB0];
	_ =	sdelay $0x2  }
0x1d8: {  	v8 =	vsub.f32 v4, v8;
	v9 =	vsub.f32 v5, v9;
	_ =	sdelay $0x1  }
0x1d9: {  	v10 =	vsub.f32 v6, v44;
	v8 =	vmul.f32 v8, v8;
	v9 =	vmul.f32 v9, v9;
	_ =	sdelay $0x1  }
0x1da: {  	v45 =	vmul.f32 v10, v10;
	v8 =	vadd.f32 v9, v8;
	_ =	sdelay $0x1  }
0x1db: {  	v8 =	vadd.f32 v45, v8;
	_ =	sdelay $0x1  }
0x1dc: {  	vm9 =	vlt.f32 v8, $3.999999910e-02  }
0x1dd: {  	v8 =	vsel vm9, $0x1, v1  }
0x1de: {  	(xrf0) =	vadd.scan.msk.s32 $0xffff, v8;
	_ =	sdelay $0x1  }
0x1df: {  	v8 =	vmpcnt.ones.xlane vm8;
	_ =	sdelay $0x3  }
0x1e0: {  	v7 =	vadd.s32 v7, v8;
	v8, _, _ =	vpop (xrf0)  }
0x1e1: {  	v8 =	vadd.s32 v7, v8;
	_ =	sdelay $0x2  }
0x1e2: {  	s19 =	sadd.s32 $0xFFFFFFB0, s3  }
0x1e3: {  	v46 =	vor.u32 s19, v2  }
0x1e4: {  	[tilespmem:v8+s23+$0x0] =	vst.idx.msk vm9, v46  }
0x1e5: {  	v8 =	vld [tilespmem:s15+$0xFFFF7FC0]  }
0x1e6: {  	v9 =	vld [tilespmem:s15+$0xFFFFBFC0];
	_ =	sdelay $0x1  }
0x1e7: {  	v47 =	vld [tilespmem:s15+$0xFFFFFFC0];
	_ =	sdelay $0x2  }
0x1e8: {  	v8 =	vsub.f32 v4, v8;
	v9 =	vsub.f32 v5, v9;
	_ =	sdelay $0x1  }
0x1e9: {  	v10 =	vsub.f32 v6, v47;
	v8 =	vmul.f32 v8, v8;
	v9 =	vmul.f32 v9, v9;
	_ =	sdelay $0x1  }
0x1ea: {  	v48 =	vmul.f32 v10, v10;
	v8 =	vadd.f32 v9, v8;
	_ =	sdelay $0x1  }
0x1eb: {  	v8 =	vadd.f32 v48, v8;
	_ =	sdelay $0x1  }
0x1ec: {  	vm10 =	vlt.f32 v8, $3.999999910e-02  }
0x1ed: {  	v8 =	vsel vm10, $0x1, v1  }
0x1ee: {  	(xrf0) =	vadd.scan.msk.s32 $0xffff, v8;
	_ =	sdelay $0x1  }
0x1ef: {  	v8 =	vmpcnt.ones.xlane vm9;
	_ =	sdelay $0x3  }
0x1f0: {  	v7 =	vadd.s32 v7, v8;
	v8, _, _ =	vpop (xrf0)  }
0x1f1: {  	v8 =	vadd.s32 v7, v8;
	_ =	sdelay $0x2  }
0x1f2: {  	s20 =	sadd.s32 $0xFFFFFFC0, s3  }
0x1f3: {  	v49 =	vor.u32 s20, v2  }
0x1f4: {  	[tilespmem:v8+s23+$0x0] =	vst.idx.msk vm10, v49  }
0x1f5: {  	v8 =	vld [tilespmem:s15+$0xFFFF7FD0]  }
0x1f6: {  	v9 =	vld [tilespmem:s15+$0xFFFFBFD0];
	_ =	sdelay $0x1  }
0x1f7: {  	v50 =	vld [tilespmem:s15+$0xFFFFFFD0];
	_ =	sdelay $0x2  }
0x1f8: {  	v8 =	vsub.f32 v4, v8;
	v9 =	vsub.f32 v5, v9;
	_ =	sdelay $0x1  }
0x1f9: {  	v10 =	vsub.f32 v6, v50;
	v8 =	vmul.f32 v8, v8;
	v9 =	vmul.f32 v9, v9;
	_ =	sdelay $0x1  }
0x1fa: {  	v51 =	vmul.f32 v10, v10;
	v8 =	vadd.f32 v9, v8;
	_ =	sdelay $0x1  }
0x1fb: {  	v8 =	vadd.f32 v51, v8;
	_ =	sdelay $0x1  }
0x1fc: {  	vm11 =	vlt.f32 v8, $3.999999910e-02  }
0x1fd: {  	v8 =	vsel vm11, $0x1, v1  }
0x1fe: {  	(xrf0) =	vadd.scan.msk.s32 $0xffff, v8;
	_ =	sdelay $0x1  }
0x1ff: {  	v8 =	vmpcnt.ones.xlane vm10;
	_ =	sdelay $0x3  }
0x200: {  	v7 =	vadd.s32 v7, v8;
	v8, _, _ =	vpop (xrf0)  }
0x201: {  	v8 =	vadd.s32 v7, v8;
	_ =	sdelay $0x2  }
0x202: {  	s22 =	sadd.s32 $0xFFFFFFD0, s3  }
0x203: {  	v52 =	vor.u32 s22, v2  }
0x204: {  	[tilespmem:v8+s23+$0x0] =	vst.idx.msk vm11, v52  }
0x205: {  	v8 =	vld [tilespmem:s15+$0xFFFF7FE0]  }
0x206: {  	v9 =	vld [tilespmem:s15+$0xFFFFBFE0];
	_ =	sdelay $0x1  }
0x207: {  	v53 =	vld [tilespmem:s15+$0xFFFFFFE0];
	_ =	sdelay $0x2  }
0x208: {  	v8 =	vsub.f32 v4, v8;
	v9 =	vsub.f32 v5, v9;
	_ =	sdelay $0x1  }
0x209: {  	v10 =	vsub.f32 v6, v53;
	v8 =	vmul.f32 v8, v8;
	v9 =	vmul.f32 v9, v9;
	_ =	sdelay $0x1  }
0x20a: {  	v54 =	vmul.f32 v10, v10;
	v8 =	vadd.f32 v9, v8;
	_ =	sdelay $0x1  }
0x20b: {  	v8 =	vadd.f32 v54, v8;
	_ =	sdelay $0x1  }
0x20c: {  	vm12 =	vlt.f32 v8, $3.999999910e-02  }
0x20d: {  	v8 =	vsel vm12, $0x1, v1  }
0x20e: {  	(xrf0) =	vadd.scan.msk.s32 $0xffff, v8;
	_ =	sdelay $0x1  }
0x20f: {  	v8 =	vmpcnt.ones.xlane vm11;
	_ =	sdelay $0x3  }
0x210: {  	v7 =	vadd.s32 v7, v8;
	v8, _, _ =	vpop (xrf0)  }
0x211: {  	v8 =	vadd.s32 v7, v8;
	_ =	sdelay $0x2  }
0x212: {  	s26 =	sadd.s32 $0xFFFFFFE0, s3  }
0x213: {  	v55 =	vor.u32 s26, v2  }
0x214: {  	[tilespmem:v8+s23+$0x0] =	vst.idx.msk vm12, v55  }
0x215: {  	v8 =	vld [tilespmem:s15+$0xFFFF7FF0]  }
0x216: {  	v9 =	vld [tilespmem:s15+$0xFFFFBFF0];
	_ =	sdelay $0x1  }
0x217: {  	v56 =	vld [tilespmem:s15+$0xFFFFFFF0];
	_ =	sdelay $0x2  }
0x218: {  	v8 =	vsub.f32 v4, v8;
	v9 =	vsub.f32 v5, v9;
	_ =	sdelay $0x1  }
0x219: {  	v10 =	vsub.f32 v6, v56;
	v8 =	vmul.f32 v8, v8;
	v9 =	vmul.f32 v9, v9;
	_ =	sdelay $0x1  }
0x21a: {  	v57 =	vmul.f32 v10, v10;
	v8 =	vadd.f32 v9, v8;
	_ =	sdelay $0x1  }
0x21b: {  	v8 =	vadd.f32 v57, v8;
	_ =	sdelay $0x1  }
0x21c: {  	vm13 =	vlt.f32 v8, $3.999999910e-02  }
0x21d: {  	v8 =	vsel vm13, $0x1, v1  }
0x21e: {  	(xrf0) =	vadd.scan.msk.s32 $0xffff, v8;
	_ =	sdelay $0x1  }
0x21f: {  	v8 =	vmpcnt.ones.xlane vm12;
	_ =	sdelay $0x3  }
0x220: {  	v7 =	vadd.s32 v7, v8;
	v8, _, _ =	vpop (xrf0)  }
0x221: {  	v8 =	vadd.s32 v7, v8;
	_ =	sdelay $0x2  }
0x222: {  	s31 =	sadd.s32 $0xFFFFFFF0, s3  }
0x223: {  	v58 =	vor.u32 s31, v2  }
0x224: {  	[tilespmem:v8+s23+$0x0] =	vst.idx.msk vm13, v58  }
0x225: {  	v8 =	vld [tilespmem:s15+$0xFFFF8000]  }
0x226: {  	v9 =	vld [tilespmem:s15+$0xFFFFC000];
	_ =	sdelay $0x1  }
0x227: {  	v59 =	vld [tilespmem:s15+$0x0];
	_ =	sdelay $0x2  }
0x228: {  	v8 =	vsub.f32 v4, v8;
	v9 =	vsub.f32 v5, v9;
	_ =	sdelay $0x1  }
0x229: {  	v10 =	vsub.f32 v6, v59;
	v8 =	vmul.f32 v8, v8;
	v9 =	vmul.f32 v9, v9;
	_ =	sdelay $0x1  }
0x22a: {  	v60 =	vmul.f32 v10, v10;
	v8 =	vadd.f32 v9, v8;
	_ =	sdelay $0x1  }
0x22b: {  	v8 =	vadd.f32 v60, v8;
	_ =	sdelay $0x1  }
0x22c: {  	v61 =	vmpcnt.ones.xlane vm13;
	vm14 =	vlt.f32 v8, $3.999999910e-02  }
0x22d: {  	v8 =	vmpcnt.ones.xlane vm14  }
0x22e: {  	v9 =	vadd.s32 v7, v61  }
0x22f: {  	v7 =	vadd.s32 v9, v8  }
0x230: {  	v8 =	vsel vm14, $0x1, v1;
	vm15 =	vlt.s32 v7, $0x3F  }
0x231: {  	(xrf0) =	vadd.scan.msk.s32 $0xffff, v8;
	v62 =	vsel vm15, $0x3F800000, v3  }
0x232: {  	(xrf0) =	vmin.scan.msk.f32 $0xffff, v62;
	_ =	sdelay $0x4  }
0x233: {  	v8, _, _ =	vpop (xrf0)  }
0x234: {  	v10, _, _ =	vpop (xrf0)  }
0x235: {  	(v2sf) =	vpush v10, $0xF;
	_ =	sdelay $0xe  }
0x236: {  	p1 =	sgt.u32 s18, $0x3E;
	s1 =	spop (v2sf)  }
0x237: {  	p2 =	sgt.f32 @!p1 s1, $0.0e+00;
	_ =	sdelay $0x1  }
0x238: {  	v8 =	vadd.s32 v9, v8;
	p2 =	por p1, !p2  }
.Ltmp7:
0x239: {  	_ = 	snop;
	(pc) =	sbr.rel @!p2 .LBB2_8-.Ltmp7, $3  }
0x23a: {  	_ =	sdelay $0x1  }
0x23b: {  	v63 =	vor.u32 s3, v2  }
0x23c: {  	s18 =	sadd.s32 $0x1, s18;
	s3 =	sadd.s32 $0x100, s3;
	s15 =	sadd.s32 $0x100, s15;
	[tilespmem:v8+s23+$0x0] =	vst.idx.msk vm14, v63  }
.Ltmp8:
0x23d: {  	(pc) =	sbr.rel .LBB2_10-.Ltmp8, $2  }
0x23e: {  	_ =	sdelay $0x2  }
0x23f: {  	v7 =	vpsel p1, v7, v7  }
.LBB2_12:
0x240: {  	_ =	sfence.sel $0x180000  }
0x241: {  	[bflag:$0x0] =	sbarrier.arrive $0xFFFF  }
0x242: {  	_ =	strace $0x90000047  }
0x243: {  	s0 =	stileid.u32;
	[bflag:$0x2] =	sbarrier.arrive $0xFFFF  }
0x244: {  	p0 =	sne.s32 s0, $0x0;
	s0 =	rddreg [dreg:$0x4]  }
0x245: {  	s0 =	sadd.s32 @!p0 $0x100000, s0  }
0x246: {  	[sflag:s0] =	ssyncadd.tile.s32 @!p0 $0x1;
	_ =	shalt  }
.Lfunc_end2:
_tile_overlayer_lowered:
.L_overlay_start_2:
0x247: {  	(tag) =	ssettag $0x2  }
0x248: {  	s0 =	rddreg [dreg:$0x0];
	s2 =	stileid.u32  }
0x249: {  	s1 =	rddreg [dreg:$0x1];
	p0 =	sne.s32 s2, $0x0  }
0x24a: {  	s3 =	rddreg [dreg:$0x2];
	[bflag:$0x3] =	sbarrier.arrive $0xFFFF;
	s2 =	simm.s32 @!p0 $0x1C03  }
0x24b: {  	[timem:s3], [sflag:s2] =	dma.local @!p0 [hbm:s0], s1  }
0x24c: {  	s0 =	simm.s32 @!p0 $0x3  }
0x24d: {  	_ =	swait.ge @!p0 [sflag:s0], s1  }
0x24e: {  	s1 =	ssub.s32 @!p0 $0x0, s1;
	[sflag:s0] =	ssyncset.done @!p0 $0x0  }
0x24f: {  	[sflag:s0] =	ssyncadd.s32 @!p0 s1  }
0x250: {  	[bflag:$0x3] =	sbarrier.arrive $0xFFFF  }
0x251: {  	_ =	shalt  }

</sc_bundles>
